<compile_context>
chip_gen: v7x
topology: tpu7x:2x2x1
jax: 0.10.2.dev20260603
libtpu: 0.0.44.dev20260713+nightly
codegen_flags: <defaults>
</compile_context>

<pallas_src>
import functools

import jax
import jax.numpy as jnp
from jax import lax
from jax.experimental import pallas as pl
from jax.experimental.pallas import tpu as pltpu
from jax.experimental.pallas import tpu_sc as plsc

NUM_EMB = 8192
DIM = 256
COMMIT = 0.25
N_TOKENS = 9216

TN = 512
N_TILES = N_TOKENS // TN

NC, NS = 2, 16
NW = NC * NS
RPW = N_TOKENS // NW
CH = 96
NCH = RPW // CH


KC = 2048
N_KC = NUM_EMB // KC
BIG = 2 ** 30


def _argmin_body(e2_ref, zb_ref, emb_ref, idx_ref, minsum_ref, em2_ref):
    i = pl.program_id(0)

    @pl.when(i == 0)
    def _():
        em2_ref[...] = emb_ref[...] * (-2.0)

    zb = zb_ref[...]
    z2 = jnp.sum(zb * zb, axis=1, keepdims=True)
    tn = z2.shape[0]
    run_v = None
    run_g = None
    for j in range(N_KC):
        m2 = lax.dot_general(
            zb, em2_ref[j * KC:(j + 1) * KC, :],
            dimension_numbers=(((1,), (1,)), ((), ())),
            preferred_element_type=jnp.float32)
        for t in range(KC // 128):
            g = j * (KC // 128) + t
            dgt = ((z2 + e2_ref[:, g * 128:(g + 1) * 128])
                   + m2[:, t * 128:(t + 1) * 128])
            if run_v is None:
                run_v = dgt
                run_g = jnp.zeros((tn, 128), jnp.int32)
            else:
                mask = dgt < run_v
                run_v = jnp.where(mask, dgt, run_v)
                run_g = jnp.where(mask, jnp.full((tn, 128), g, jnp.int32),
                                  run_g)
    rowmin = jnp.min(run_v, axis=1, keepdims=True)
    lane = lax.broadcasted_iota(jnp.int32, (tn, 128), 1)
    cand = run_g * 128 + lane
    idx = jnp.min(jnp.where(run_v == rowmin, cand, BIG), axis=1)
    idx_ref[0, 0, :] = idx
    ts = jnp.sum(rowmin).reshape(1, 1)
    minsum_ref[...] = jnp.where(i == 0, ts, minsum_ref[...] + ts)


def _tc_argmin(e2, flat_z, embeddings):
    return pl.pallas_call(
        _argmin_body,
        grid=(N_TILES,),
        in_specs=[
            pl.BlockSpec((1, NUM_EMB), lambda i: (0, 0)),
            pl.BlockSpec((TN, DIM), lambda i: (i, 0)),
            pl.BlockSpec((NUM_EMB, DIM), lambda i: (0, 0)),
        ],
        out_specs=[
            pl.BlockSpec((1, 1, TN), lambda i: (i, 0, 0)),
            pl.BlockSpec((1, 1), lambda i: (0, 0)),
        ],
        out_shape=[
            jax.ShapeDtypeStruct((N_TILES, 1, TN), jnp.int32),
            jax.ShapeDtypeStruct((1, 1), jnp.float32),
        ],
        scratch_shapes=[pltpu.VMEM((NUM_EMB, DIM), jnp.float32)],
    )(e2, flat_z, embeddings)


def _sc_body(emb_hbm, idx_hbm, zeros_hbm, q_hbm, counts_hbm,
             idx_v, rows_v, ones_v, counts_sh, sem):
    c = lax.axis_index("c")
    s = lax.axis_index("s")
    wid = s * NC + c
    base = wid * RPW

    @pl.when(s == 0)
    def _():
        pltpu.sync_copy(zeros_hbm, counts_sh)

    pltpu.sync_copy(idx_hbm.at[wid], idx_v)

    for t in range(CH // 16):
        ones_v[pl.ds(t * 16, 16)] = jnp.ones((16,), jnp.float32)

    descs = [
        pltpu.async_copy(emb_hbm.at[idx_v.at[j]],
                         rows_v.at[pl.ds(j * CH, CH)], sem)
        for j in range(NCH)
    ]
    for dsc in descs:
        dsc.wait()
    pltpu.sync_copy(rows_v, q_hbm.at[pl.ds(base, RPW)])

    plsc.subcore_barrier()
    for j in range(NCH):
        pltpu.sync_copy(ones_v, counts_sh.at[idx_v.at[j]], add=True)
    plsc.subcore_barrier()

    @pl.when(s == 0)
    def _():
        pltpu.sync_copy(counts_sh, counts_hbm.at[c])


@functools.lru_cache(maxsize=1)
def _sc_gather_counts():
    return pl.kernel(
        _sc_body,
        out_type=[
            jax.ShapeDtypeStruct((N_TOKENS, DIM), jnp.float32),
            jax.ShapeDtypeStruct((NC, NUM_EMB), jnp.float32),
        ],
        mesh=plsc.VectorSubcoreMesh(core_axis_name="c",
                                    subcore_axis_name="s"),
        scratch_types=[
            pltpu.VMEM((NCH, CH), jnp.int32),
            pltpu.VMEM((RPW, DIM), jnp.float32),
            pltpu.VMEM((CH,), jnp.float32),
            pltpu.VMEM_SHARED((NUM_EMB,), jnp.float32),
            pltpu.SemaphoreType.DMA,
        ],
    )


def _scalars_body(counts_ref, minsum_ref, loss_ref, perp_ref):
    cs = counts_ref[...]
    counts = cs[0:1, :] + cs[1:2, :]
    avg = counts * (1.0 / N_TOKENS)
    ent = -jnp.sum(avg * jnp.log(avg + 1e-10))
    perp_ref[...] = jnp.exp(ent).reshape(1, 1)
    loss_ref[...] = minsum_ref[...] * (COMMIT / (N_TOKENS * DIM))


def _tc_scalars(counts, minsum):
    return pl.pallas_call(
        _scalars_body,
        out_shape=[
            jax.ShapeDtypeStruct((1, 1), jnp.float32),
            jax.ShapeDtypeStruct((1, 1), jnp.float32),
        ],
    )(counts, minsum)


def kernel(z, embeddings):
    zp = jnp.transpose(z, (0, 2, 1))
    B, T, D = zp.shape
    flat_z = zp.reshape(-1, D)
    e2 = jnp.sum(embeddings ** 2, axis=1).reshape(1, NUM_EMB)

    idx_t, minsum = _tc_argmin(e2, flat_z, embeddings)
    indices = idx_t.reshape(N_TOKENS)

    q, counts = _sc_gather_counts()(
        embeddings, indices.reshape(NW, NCH, CH),
        jnp.zeros((NUM_EMB,), jnp.float32))

    loss, perp = _tc_scalars(counts, minsum)

    quantized = jnp.transpose(q.reshape(B, T, D), (0, 2, 1))
    return (quantized, indices.reshape(B, T),
            loss.reshape(()), perp.reshape(()))

# --- scband reference (transcript-rebuilt; emitter-appended) ---
"""Pipeline reference for scband-vector-quantizer-ema-47949014892599 (READ-ONLY COPY).

The authoritative reference and input builder live on the scoring server;
editing this copy changes nothing except your own understanding.
"""

import jax, jax.numpy as jnp
import numpy as np

NUM_EMBEDDINGS = 8192
EMBEDDING_DIM = 256
COMMITMENT_COST = 0.25


def setup_inputs(seed: int = 0) -> dict:
    key = jax.random.key(seed)
    k1, k2 = jax.random.split(key)
    z = jax.random.normal(k1, (16, 256, 576), dtype=jnp.float32)
    embeddings = jax.random.uniform(
        k2, (NUM_EMBEDDINGS, EMBEDDING_DIM), dtype=jnp.float32,
        minval=-1.0 / NUM_EMBEDDINGS, maxval=1.0 / NUM_EMBEDDINGS)
    return {"z": z, "embeddings": embeddings}


def reference(z, embeddings):
    # z: (B, D, T) -> (B, T, D)
    zp = jnp.transpose(z, (0, 2, 1))
    B, T, D = zp.shape
    K = embeddings.shape[0]
    flat_z = zp.reshape(-1, D)
    # squared L2 distances to every codebook entry (compute-heavy matmul)
    distances = (jnp.sum(flat_z ** 2, axis=1, keepdims=True)
                 + jnp.sum(embeddings ** 2, axis=1)
                 - 2.0 * jnp.matmul(flat_z, embeddings.T))
    indices = jnp.argmin(distances, axis=1)
    # one_hot(indices) @ embeddings == embeddings[indices] (same math, gather form)
    quantized_flat = jnp.take(embeddings, indices, axis=0)
    quantized = quantized_flat.reshape(B, T, D)
    # eval mode: no EMA / dead-code update
    e_latent_loss = jnp.mean((jax.lax.stop_gradient(quantized) - zp) ** 2)
    loss = COMMITMENT_COST * e_latent_loss
    # straight-through estimator
    quantized = zp + jax.lax.stop_gradient(quantized - zp)
    # avg_probs = mean(one_hot(indices), axis=0) == bincount/N (same math)
    counts = jnp.bincount(indices, length=K).astype(jnp.float32)
    avg_probs = counts / flat_z.shape[0]
    perplexity = jnp.exp(-jnp.sum(avg_probs * jnp.log(avg_probs + 1e-10)))
    quantized = jnp.transpose(quantized, (0, 2, 1))
    indices = indices.reshape(B, T)
    return quantized, indices, loss, perplexity

if __name__ == "__main__":
    import jax
    _d = setup_inputs()
    print(jax.jit(kernel)(*tuple(_d.values())))

</pallas_src>

<mosaic_0001>
#map = affine_map<(d0, d1) -> (0, 0)>
#map1 = affine_map<(d0, d1) -> (0, 0, 0)>
#map2 = affine_map<(d0, d1) -> (0)>
module attributes {stable_mosaic.version = 14 : i64} {
  func.func @_sc_body(%arg0: i32, %arg1: i32, %arg2: memref<8192x256xf32, #tpu.memory_space<hbm>>, %arg3: memref<32x3x96xi32, #tpu.memory_space<hbm>>, %arg4: memref<8192xf32, #tpu.memory_space<hbm>>, %arg5: memref<9216x256xf32, #tpu.memory_space<hbm>>, %arg6: memref<2x8192xf32, #tpu.memory_space<hbm>>, %arg7: memref<3x96xi32, #tpu.memory_space<vmem>>, %arg8: memref<288x256xf32, #tpu.memory_space<vmem>>, %arg9: memref<96xf32, #tpu.memory_space<vmem>>, %arg10: memref<8192xf32, #tpu.memory_space<vmem_shared>>, %arg11: memref<!tpu.dma_semaphore, #tpu.memory_space<semaphore_mem>>) attributes {dimension_semantics = [#tpu.dimension_semantics<core_parallel>, #tpu.dimension_semantics<subcore_parallel>], iteration_bounds = array<i64: 2, 16>, scalar_prefetch = 0 : i64, scratch_operands = 5 : i64, tpu.core_type = #tpu.core_type<sc_vector_subcore>, window_params = [{transform_indices = #map}, {transform_indices = #map1}, {transform_indices = #map2}, {transform_indices = #map}, {transform_indices = #map}]} {
    %mul3A = arith.constant 2 : i32
    %mul3A_0 = arith.muli %arg1, %mul3A : i32
    %add3A = arith.addi %mul3A_0, %arg0 : i32
    %mul3A_1 = arith.constant 288 : i32
    %mul3A_2 = arith.muli %add3A, %mul3A_1 : i32
    %eq3A = arith.constant 0 : i32
    %eq3A_3 = arith.cmpi eq, %arg1, %eq3A : i32
    %convert_element_type3A = arith.extui %eq3A_3 : i1 to i32
    %cond3A = arith.constant 0 : i32
    %cond3A_4 = arith.cmpi ne, %convert_element_type3A, %cond3A : i32
    scf.if %cond3A_4 {
      "tpu.region"() ({
        %run_scoped3A_105 = tpu.sem_alloc : memref<!tpu.dma_semaphore, #tpu.memory_space<semaphore_mem>>
        tpu.enqueue_dma source(%arg4 : memref<8192xf32, #tpu.memory_space<hbm>>) target(%arg10 : memref<8192xf32, #tpu.memory_space<vmem_shared>>) target_semaphore(%run_scoped3A_105 : memref<!tpu.dma_semaphore, #tpu.memory_space<semaphore_mem>>)
        tpu.wait_dma2 semaphore(%run_scoped3A_105 : memref<!tpu.dma_semaphore, #tpu.memory_space<semaphore_mem>>) src(%arg4 : memref<8192xf32, #tpu.memory_space<hbm>>) dst(%arg10 : memref<8192xf32, #tpu.memory_space<vmem_shared>>)
        tpu.yield
      }) : () -> ()
    } else {
    }
    "tpu.region"() ({
      %run_scoped3A_105 = tpu.sem_alloc : memref<!tpu.dma_semaphore, #tpu.memory_space<semaphore_mem>>
      %dma_start3A_106 = arith.constant 0 : i32
      %dma_start3A_107 = arith.constant 0 : i32
      %dma_start3A_108 = tpu.memref_slice %arg3[%add3A, %dma_start3A_106, %dma_start3A_107] : memref<32x3x96xi32, #tpu.memory_space<hbm>> -> memref<1x3x96xi32, #tpu.memory_space<hbm>>
      %dma_start3A_109 = tpu.memref_squeeze %dma_start3A_108 : memref<1x3x96xi32, #tpu.memory_space<hbm>> -> memref<3x96xi32, #tpu.memory_space<hbm>>
      %dma_start3A_110 = arith.constant 0 : i32
      %dma_start3A_111 = arith.constant 0 : i32
      %dma_start3A_112 = tpu.memref_slice %arg3[%add3A, %dma_start3A_110, %dma_start3A_111] : memref<32x3x96xi32, #tpu.memory_space<hbm>> -> memref<1x3x96xi32, #tpu.memory_space<hbm>>
      %dma_start3A_113 = tpu.memref_squeeze %dma_start3A_112 : memref<1x3x96xi32, #tpu.memory_space<hbm>> -> memref<3x96xi32, #tpu.memory_space<hbm>>
      tpu.enqueue_dma source(%dma_start3A_113 : memref<3x96xi32, #tpu.memory_space<hbm>>) target(%arg7 : memref<3x96xi32, #tpu.memory_space<vmem>>) target_semaphore(%run_scoped3A_105 : memref<!tpu.dma_semaphore, #tpu.memory_space<semaphore_mem>>)
      %dma_wait3A_114 = arith.constant 0 : i32
      %dma_wait3A_115 = arith.constant 0 : i32
      %dma_wait3A_116 = tpu.memref_slice %arg3[%add3A, %dma_wait3A_114, %dma_wait3A_115] : memref<32x3x96xi32, #tpu.memory_space<hbm>> -> memref<1x3x96xi32, #tpu.memory_space<hbm>>
      %dma_wait3A_117 = tpu.memref_squeeze %dma_wait3A_116 : memref<1x3x96xi32, #tpu.memory_space<hbm>> -> memref<3x96xi32, #tpu.memory_space<hbm>>
      %dma_wait3A_118 = arith.constant 0 : i32
      %dma_wait3A_119 = arith.constant 0 : i32
      %dma_wait3A_120 = tpu.memref_slice %arg3[%add3A, %dma_wait3A_118, %dma_wait3A_119] : memref<32x3x96xi32, #tpu.memory_space<hbm>> -> memref<1x3x96xi32, #tpu.memory_space<hbm>>
      %dma_wait3A_121 = tpu.memref_squeeze %dma_wait3A_120 : memref<1x3x96xi32, #tpu.memory_space<hbm>> -> memref<3x96xi32, #tpu.memory_space<hbm>>
      tpu.wait_dma2 semaphore(%run_scoped3A_105 : memref<!tpu.dma_semaphore, #tpu.memory_space<semaphore_mem>>) src(%dma_wait3A_121 : memref<3x96xi32, #tpu.memory_space<hbm>>) dst(%arg7 : memref<3x96xi32, #tpu.memory_space<vmem>>)
      tpu.yield
    }) : () -> ()
    %broadcast_in_dim3A = arith.constant 1.000000e+00 : f32
    %broadcast_in_dim3A_5 = vector.broadcast %broadcast_in_dim3A : f32 to vector<16xf32>
    %swap3A = arith.constant 0 : index
    %swap3A_6 = tpu.vector_load %arg9[%swap3A] {strides = array<i32>} : memref<96xf32, #tpu.memory_space<vmem>>, vector<16xf32>,
    %swap3A_7 = vector.shape_cast %swap3A_6 : vector<16xf32> to vector<16xf32>
    %swap3A_8 = vector.shape_cast %broadcast_in_dim3A_5 : vector<16xf32> to vector<16xf32>
    tpu.vector_store %arg9[%swap3A], %swap3A_8 {strides = array<i32>} : memref<96xf32, #tpu.memory_space<vmem>>, vector<16xf32>,
    %broadcast_in_dim3A_9 = arith.constant 1.000000e+00 : f32
    %broadcast_in_dim3A_10 = vector.broadcast %broadcast_in_dim3A_9 : f32 to vector<16xf32>
    %swap3A_11 = arith.constant 16 : index
    %swap3A_12 = tpu.vector_load %arg9[%swap3A_11] {strides = array<i32>} : memref<96xf32, #tpu.memory_space<vmem>>, vector<16xf32>,
    %swap3A_13 = vector.shape_cast %swap3A_12 : vector<16xf32> to vector<16xf32>
    %swap3A_14 = vector.shape_cast %broadcast_in_dim3A_10 : vector<16xf32> to vector<16xf32>
    tpu.vector_store %arg9[%swap3A_11], %swap3A_14 {strides = array<i32>} : memref<96xf32, #tpu.memory_space<vmem>>, vector<16xf32>,
    %broadcast_in_dim3A_15 = arith.constant 1.000000e+00 : f32
    %broadcast_in_dim3A_16 = vector.broadcast %broadcast_in_dim3A_15 : f32 to vector<16xf32>
    %swap3A_17 = arith.constant 32 : index
    %swap3A_18 = tpu.vector_load %arg9[%swap3A_17] {strides = array<i32>} : memref<96xf32, #tpu.memory_space<vmem>>, vector<16xf32>,
    %swap3A_19 = vector.shape_cast %swap3A_18 : vector<16xf32> to vector<16xf32>
    %swap3A_20 = vector.shape_cast %broadcast_in_dim3A_16 : vector<16xf32> to vector<16xf32>
    tpu.vector_store %arg9[%swap3A_17], %swap3A_20 {strides = array<i32>} : memref<96xf32, #tpu.memory_space<vmem>>, vector<16xf32>,
    %broadcast_in_dim3A_21 = arith.constant 1.000000e+00 : f32
    %broadcast_in_dim3A_22 = vector.broadcast %broadcast_in_dim3A_21 : f32 to vector<16xf32>
    %swap3A_23 = arith.constant 48 : index
    %swap3A_24 = tpu.vector_load %arg9[%swap3A_23] {strides = array<i32>} : memref<96xf32, #tpu.memory_space<vmem>>, vector<16xf32>,
    %swap3A_25 = vector.shape_cast %swap3A_24 : vector<16xf32> to vector<16xf32>
    %swap3A_26 = vector.shape_cast %broadcast_in_dim3A_22 : vector<16xf32> to vector<16xf32>
    tpu.vector_store %arg9[%swap3A_23], %swap3A_26 {strides = array<i32>} : memref<96xf32, #tpu.memory_space<vmem>>, vector<16xf32>,
    %broadcast_in_dim3A_27 = arith.constant 1.000000e+00 : f32
    %broadcast_in_dim3A_28 = vector.broadcast %broadcast_in_dim3A_27 : f32 to vector<16xf32>
    %swap3A_29 = arith.constant 64 : index
    %swap3A_30 = tpu.vector_load %arg9[%swap3A_29] {strides = array<i32>} : memref<96xf32, #tpu.memory_space<vmem>>, vector<16xf32>,
    %swap3A_31 = vector.shape_cast %swap3A_30 : vector<16xf32> to vector<16xf32>
    %swap3A_32 = vector.shape_cast %broadcast_in_dim3A_28 : vector<16xf32> to vector<16xf32>
    tpu.vector_store %arg9[%swap3A_29], %swap3A_32 {strides = array<i32>} : memref<96xf32, #tpu.memory_space<vmem>>, vector<16xf32>,
    %broadcast_in_dim3A_33 = arith.constant 1.000000e+00 : f32
    %broadcast_in_dim3A_34 = vector.broadcast %broadcast_in_dim3A_33 : f32 to vector<16xf32>
    %swap3A_35 = arith.constant 80 : index
    %swap3A_36 = tpu.vector_load %arg9[%swap3A_35] {strides = array<i32>} : memref<96xf32, #tpu.memory_space<vmem>>, vector<16xf32>,
    %swap3A_37 = vector.shape_cast %swap3A_36 : vector<16xf32> to vector<16xf32>
    %swap3A_38 = vector.shape_cast %broadcast_in_dim3A_34 : vector<16xf32> to vector<16xf32>
    tpu.vector_store %arg9[%swap3A_35], %swap3A_38 {strides = array<i32>} : memref<96xf32, #tpu.memory_space<vmem>>, vector<16xf32>,
    %dma_start3A = arith.constant 0 : i32
    %dma_start3A_39 = arith.constant 0 : i32
    %dma_start3A_40 = arith.constant 0 : i32
    %dma_start3A_41 = tpu.memref_slice %arg8[%dma_start3A_39, %dma_start3A_40] : memref<288x256xf32, #tpu.memory_space<vmem>> -> memref<96x256xf32, #tpu.memory_space<vmem>>
    %dma_start3A_42 = arith.constant 0 : i32
    %dma_start3A_43 = tpu.memref_slice %arg7[%dma_start3A, %dma_start3A_42] : memref<3x96xi32, #tpu.memory_space<vmem>> -> memref<1x96xi32, #tpu.memory_space<vmem>>
    %dma_start3A_44 = tpu.memref_squeeze %dma_start3A_43 : memref<1x96xi32, #tpu.memory_space<vmem>> -> memref<96xi32, #tpu.memory_space<vmem>>
    %dma_start3A_45 = arith.constant 0 : i32
    %dma_start3A_46 = arith.constant 0 : i32
    %dma_start3A_47 = tpu.memref_slice %arg2[%dma_start3A_45, %dma_start3A_46] : memref<8192x256xf32, #tpu.memory_space<hbm>> -> memref<8192x256xf32, #tpu.memory_space<hbm>>
    tpu.enqueue_indirect_dma source(%dma_start3A_47 : memref<8192x256xf32, #tpu.memory_space<hbm>>) target(%dma_start3A_41 : memref<96x256xf32, #tpu.memory_space<vmem>>) offsets(%dma_start3A_44 : memref<96xi32, #tpu.memory_space<vmem>>) semaphore(%arg11 : memref<!tpu.dma_semaphore, #tpu.memory_space<semaphore_mem>>)
    %dma_start3A_48 = arith.constant 1 : i32
    %dma_start3A_49 = arith.constant 96 : i32
    %dma_start3A_50 = arith.constant 0 : i32
    %dma_start3A_51 = tpu.memref_slice %arg8[%dma_start3A_49, %dma_start3A_50] : memref<288x256xf32, #tpu.memory_space<vmem>> -> memref<96x256xf32, #tpu.memory_space<vmem>>
    %dma_start3A_52 = arith.constant 0 : i32
    %dma_start3A_53 = tpu.memref_slice %arg7[%dma_start3A_48, %dma_start3A_52] : memref<3x96xi32, #tpu.memory_space<vmem>> -> memref<1x96xi32, #tpu.memory_space<vmem>>
    %dma_start3A_54 = tpu.memref_squeeze %dma_start3A_53 : memref<1x96xi32, #tpu.memory_space<vmem>> -> memref<96xi32, #tpu.memory_space<vmem>>
    %dma_start3A_55 = arith.constant 0 : i32
    %dma_start3A_56 = arith.constant 0 : i32
    %dma_start3A_57 = tpu.memref_slice %arg2[%dma_start3A_55, %dma_start3A_56] : memref<8192x256xf32, #tpu.memory_space<hbm>> -> memref<8192x256xf32, #tpu.memory_space<hbm>>
    tpu.enqueue_indirect_dma source(%dma_start3A_57 : memref<8192x256xf32, #tpu.memory_space<hbm>>) target(%dma_start3A_51 : memref<96x256xf32, #tpu.memory_space<vmem>>) offsets(%dma_start3A_54 : memref<96xi32, #tpu.memory_space<vmem>>) semaphore(%arg11 : memref<!tpu.dma_semaphore, #tpu.memory_space<semaphore_mem>>)
    %dma_start3A_58 = arith.constant 2 : i32
    %dma_start3A_59 = arith.constant 192 : i32
    %dma_start3A_60 = arith.constant 0 : i32
    %dma_start3A_61 = tpu.memref_slice %arg8[%dma_start3A_59, %dma_start3A_60] : memref<288x256xf32, #tpu.memory_space<vmem>> -> memref<96x256xf32, #tpu.memory_space<vmem>>
    %dma_start3A_62 = arith.constant 0 : i32
    %dma_start3A_63 = tpu.memref_slice %arg7[%dma_start3A_58, %dma_start3A_62] : memref<3x96xi32, #tpu.memory_space<vmem>> -> memref<1x96xi32, #tpu.memory_space<vmem>>
    %dma_start3A_64 = tpu.memref_squeeze %dma_start3A_63 : memref<1x96xi32, #tpu.memory_space<vmem>> -> memref<96xi32, #tpu.memory_space<vmem>>
    %dma_start3A_65 = arith.constant 0 : i32
    %dma_start3A_66 = arith.constant 0 : i32
    %dma_start3A_67 = tpu.memref_slice %arg2[%dma_start3A_65, %dma_start3A_66] : memref<8192x256xf32, #tpu.memory_space<hbm>> -> memref<8192x256xf32, #tpu.memory_space<hbm>>
    tpu.enqueue_indirect_dma source(%dma_start3A_67 : memref<8192x256xf32, #tpu.memory_space<hbm>>) target(%dma_start3A_61 : memref<96x256xf32, #tpu.memory_space<vmem>>) offsets(%dma_start3A_64 : memref<96xi32, #tpu.memory_space<vmem>>) semaphore(%arg11 : memref<!tpu.dma_semaphore, #tpu.memory_space<semaphore_mem>>)
    %dma_wait3A = arith.constant 0 : i32
    %dma_wait3A_68 = arith.constant 0 : i32
    %dma_wait3A_69 = arith.constant 0 : i32
    %dma_wait3A_70 = tpu.memref_slice %arg8[%dma_wait3A_68, %dma_wait3A_69] : memref<288x256xf32, #tpu.memory_space<vmem>> -> memref<96x256xf32, #tpu.memory_space<vmem>>
    %dma_wait3A_71 = arith.constant 0 : i32
    %dma_wait3A_72 = tpu.memref_slice %arg7[%dma_wait3A, %dma_wait3A_71] : memref<3x96xi32, #tpu.memory_space<vmem>> -> memref<1x96xi32, #tpu.memory_space<vmem>>
    %dma_wait3A_73 = tpu.memref_squeeze %dma_wait3A_72 : memref<1x96xi32, #tpu.memory_space<vmem>> -> memref<96xi32, #tpu.memory_space<vmem>>
    %dma_wait3A_74 = arith.constant 0 : i32
    %dma_wait3A_75 = arith.constant 0 : i32
    %dma_wait3A_76 = tpu.memref_slice %arg2[%dma_wait3A_74, %dma_wait3A_75] : memref<8192x256xf32, #tpu.memory_space<hbm>> -> memref<8192x256xf32, #tpu.memory_space<hbm>>
    tpu.wait_indirect_dma semaphore(%arg11 : memref<!tpu.dma_semaphore, #tpu.memory_space<semaphore_mem>>) src(%dma_wait3A_76 : memref<8192x256xf32, #tpu.memory_space<hbm>>) dst(%dma_wait3A_70 : memref<96x256xf32, #tpu.memory_space<vmem>>)
    %dma_wait3A_77 = arith.constant 1 : i32
    %dma_wait3A_78 = arith.constant 96 : i32
    %dma_wait3A_79 = arith.constant 0 : i32
    %dma_wait3A_80 = tpu.memref_slice %arg8[%dma_wait3A_78, %dma_wait3A_79] : memref<288x256xf32, #tpu.memory_space<vmem>> -> memref<96x256xf32, #tpu.memory_space<vmem>>
    %dma_wait3A_81 = arith.constant 0 : i32
    %dma_wait3A_82 = tpu.memref_slice %arg7[%dma_wait3A_77, %dma_wait3A_81] : memref<3x96xi32, #tpu.memory_space<vmem>> -> memref<1x96xi32, #tpu.memory_space<vmem>>
    %dma_wait3A_83 = tpu.memref_squeeze %dma_wait3A_82 : memref<1x96xi32, #tpu.memory_space<vmem>> -> memref<96xi32, #tpu.memory_space<vmem>>
    %dma_wait3A_84 = arith.constant 0 : i32
    %dma_wait3A_85 = arith.constant 0 : i32
    %dma_wait3A_86 = tpu.memref_slice %arg2[%dma_wait3A_84, %dma_wait3A_85] : memref<8192x256xf32, #tpu.memory_space<hbm>> -> memref<8192x256xf32, #tpu.memory_space<hbm>>
    tpu.wait_indirect_dma semaphore(%arg11 : memref<!tpu.dma_semaphore, #tpu.memory_space<semaphore_mem>>) src(%dma_wait3A_86 : memref<8192x256xf32, #tpu.memory_space<hbm>>) dst(%dma_wait3A_80 : memref<96x256xf32, #tpu.memory_space<vmem>>)
    %dma_wait3A_87 = arith.constant 2 : i32
    %dma_wait3A_88 = arith.constant 192 : i32
    %dma_wait3A_89 = arith.constant 0 : i32
    %dma_wait3A_90 = tpu.memref_slice %arg8[%dma_wait3A_88, %dma_wait3A_89] : memref<288x256xf32, #tpu.memory_space<vmem>> -> memref<96x256xf32, #tpu.memory_space<vmem>>
    %dma_wait3A_91 = arith.constant 0 : i32
    %dma_wait3A_92 = tpu.memref_slice %arg7[%dma_wait3A_87, %dma_wait3A_91] : memref<3x96xi32, #tpu.memory_space<vmem>> -> memref<1x96xi32, #tpu.memory_space<vmem>>
    %dma_wait3A_93 = tpu.memref_squeeze %dma_wait3A_92 : memref<1x96xi32, #tpu.memory_space<vmem>> -> memref<96xi32, #tpu.memory_space<vmem>>
    %dma_wait3A_94 = arith.constant 0 : i32
    %dma_wait3A_95 = arith.constant 0 : i32
    %dma_wait3A_96 = tpu.memref_slice %arg2[%dma_wait3A_94, %dma_wait3A_95] : memref<8192x256xf32, #tpu.memory_space<hbm>> -> memref<8192x256xf32, #tpu.memory_space<hbm>>
    tpu.wait_indirect_dma semaphore(%arg11 : memref<!tpu.dma_semaphore, #tpu.memory_space<semaphore_mem>>) src(%dma_wait3A_96 : memref<8192x256xf32, #tpu.memory_space<hbm>>) dst(%dma_wait3A_90 : memref<96x256xf32, #tpu.memory_space<vmem>>)
    "tpu.region"() ({
      %run_scoped3A_105 = tpu.sem_alloc : memref<!tpu.dma_semaphore, #tpu.memory_space<semaphore_mem>>
      %dma_start3A_106 = arith.constant 0 : i32
      %dma_start3A_107 = tpu.memref_slice %arg5[%mul3A_2, %dma_start3A_106] : memref<9216x256xf32, #tpu.memory_space<hbm>> -> memref<288x256xf32, #tpu.memory_space<hbm>>
      %dma_start3A_108 = arith.constant 0 : i32
      %dma_start3A_109 = tpu.memref_slice %arg5[%mul3A_2, %dma_start3A_108] : memref<9216x256xf32, #tpu.memory_space<hbm>> -> memref<288x256xf32, #tpu.memory_space<hbm>>
      tpu.enqueue_dma source(%arg8 : memref<288x256xf32, #tpu.memory_space<vmem>>) target(%dma_start3A_109 : memref<288x256xf32, #tpu.memory_space<hbm>>) target_semaphore(%run_scoped3A_105 : memref<!tpu.dma_semaphore, #tpu.memory_space<semaphore_mem>>)
      %dma_wait3A_110 = arith.constant 0 : i32
      %dma_wait3A_111 = tpu.memref_slice %arg5[%mul3A_2, %dma_wait3A_110] : memref<9216x256xf32, #tpu.memory_space<hbm>> -> memref<288x256xf32, #tpu.memory_space<hbm>>
      %dma_wait3A_112 = arith.constant 0 : i32
      %dma_wait3A_113 = tpu.memref_slice %arg5[%mul3A_2, %dma_wait3A_112] : memref<9216x256xf32, #tpu.memory_space<hbm>> -> memref<288x256xf32, #tpu.memory_space<hbm>>
      tpu.wait_dma2 semaphore(%run_scoped3A_105 : memref<!tpu.dma_semaphore, #tpu.memory_space<semaphore_mem>>) src(%arg8 : memref<288x256xf32, #tpu.memory_space<vmem>>) dst(%dma_wait3A_113 : memref<288x256xf32, #tpu.memory_space<hbm>>)
      tpu.yield
    }) : () -> ()
    %barrier3A = arith.constant 0 : index
    tpu.barrier barrier_id(%barrier3A)
    %run_scoped3A = arith.constant 0 : i32
    "tpu.region"() ({
      %run_scoped3A_105 = tpu.sem_alloc : memref<!tpu.dma_semaphore, #tpu.memory_space<semaphore_mem>>
      %dma_start3A_106 = arith.constant 0 : i32
      %dma_start3A_107 = tpu.memref_slice %arg7[%run_scoped3A, %dma_start3A_106] : memref<3x96xi32, #tpu.memory_space<vmem>> -> memref<1x96xi32, #tpu.memory_space<vmem>>
      %dma_start3A_108 = tpu.memref_squeeze %dma_start3A_107 : memref<1x96xi32, #tpu.memory_space<vmem>> -> memref<96xi32, #tpu.memory_space<vmem>>
      %dma_start3A_109 = arith.constant 0 : i32
      %dma_start3A_110 = tpu.memref_slice %arg10[%dma_start3A_109] : memref<8192xf32, #tpu.memory_space<vmem_shared>> -> memref<8192xf32, #tpu.memory_space<vmem_shared>>
      tpu.enqueue_indirect_dma source(%arg9 : memref<96xf32, #tpu.memory_space<vmem>>) target(%dma_start3A_110 : memref<8192xf32, #tpu.memory_space<vmem_shared>>) offsets(%dma_start3A_108 : memref<96xi32, #tpu.memory_space<vmem>>) semaphore(%run_scoped3A_105 : memref<!tpu.dma_semaphore, #tpu.memory_space<semaphore_mem>>) {add = true}
      %dma_wait3A_111 = arith.constant 0 : i32
      %dma_wait3A_112 = tpu.memref_slice %arg7[%run_scoped3A, %dma_wait3A_111] : memref<3x96xi32, #tpu.memory_space<vmem>> -> memref<1x96xi32, #tpu.memory_space<vmem>>
      %dma_wait3A_113 = tpu.memref_squeeze %dma_wait3A_112 : memref<1x96xi32, #tpu.memory_space<vmem>> -> memref<96xi32, #tpu.memory_space<vmem>>
      %dma_wait3A_114 = arith.constant 0 : i32
      %dma_wait3A_115 = tpu.memref_slice %arg10[%dma_wait3A_114] : memref<8192xf32, #tpu.memory_space<vmem_shared>> -> memref<8192xf32, #tpu.memory_space<vmem_shared>>
      tpu.wait_indirect_dma semaphore(%run_scoped3A_105 : memref<!tpu.dma_semaphore, #tpu.memory_space<semaphore_mem>>) src(%arg9 : memref<96xf32, #tpu.memory_space<vmem>>) dst(%dma_wait3A_115 : memref<8192xf32, #tpu.memory_space<vmem_shared>>)
      tpu.yield
    }) : () -> ()
    %run_scoped3A_97 = arith.constant 1 : i32
    "tpu.region"() ({
      %run_scoped3A_105 = tpu.sem_alloc : memref<!tpu.dma_semaphore, #tpu.memory_space<semaphore_mem>>
      %dma_start3A_106 = arith.constant 0 : i32
      %dma_start3A_107 = tpu.memref_slice %arg7[%run_scoped3A_97, %dma_start3A_106] : memref<3x96xi32, #tpu.memory_space<vmem>> -> memref<1x96xi32, #tpu.memory_space<vmem>>
      %dma_start3A_108 = tpu.memref_squeeze %dma_start3A_107 : memref<1x96xi32, #tpu.memory_space<vmem>> -> memref<96xi32, #tpu.memory_space<vmem>>
      %dma_start3A_109 = arith.constant 0 : i32
      %dma_start3A_110 = tpu.memref_slice %arg10[%dma_start3A_109] : memref<8192xf32, #tpu.memory_space<vmem_shared>> -> memref<8192xf32, #tpu.memory_space<vmem_shared>>
      tpu.enqueue_indirect_dma source(%arg9 : memref<96xf32, #tpu.memory_space<vmem>>) target(%dma_start3A_110 : memref<8192xf32, #tpu.memory_space<vmem_shared>>) offsets(%dma_start3A_108 : memref<96xi32, #tpu.memory_space<vmem>>) semaphore(%run_scoped3A_105 : memref<!tpu.dma_semaphore, #tpu.memory_space<semaphore_mem>>) {add = true}
      %dma_wait3A_111 = arith.constant 0 : i32
      %dma_wait3A_112 = tpu.memref_slice %arg7[%run_scoped3A_97, %dma_wait3A_111] : memref<3x96xi32, #tpu.memory_space<vmem>> -> memref<1x96xi32, #tpu.memory_space<vmem>>
      %dma_wait3A_113 = tpu.memref_squeeze %dma_wait3A_112 : memref<1x96xi32, #tpu.memory_space<vmem>> -> memref<96xi32, #tpu.memory_space<vmem>>
      %dma_wait3A_114 = arith.constant 0 : i32
      %dma_wait3A_115 = tpu.memref_slice %arg10[%dma_wait3A_114] : memref<8192xf32, #tpu.memory_space<vmem_shared>> -> memref<8192xf32, #tpu.memory_space<vmem_shared>>
      tpu.wait_indirect_dma semaphore(%run_scoped3A_105 : memref<!tpu.dma_semaphore, #tpu.memory_space<semaphore_mem>>) src(%arg9 : memref<96xf32, #tpu.memory_space<vmem>>) dst(%dma_wait3A_115 : memref<8192xf32, #tpu.memory_space<vmem_shared>>)
      tpu.yield
    }) : () -> ()
    %run_scoped3A_98 = arith.constant 2 : i32
    "tpu.region"() ({
      %run_scoped3A_105 = tpu.sem_alloc : memref<!tpu.dma_semaphore, #tpu.memory_space<semaphore_mem>>
      %dma_start3A_106 = arith.constant 0 : i32
      %dma_start3A_107 = tpu.memref_slice %arg7[%run_scoped3A_98, %dma_start3A_106] : memref<3x96xi32, #tpu.memory_space<vmem>> -> memref<1x96xi32, #tpu.memory_space<vmem>>
      %dma_start3A_108 = tpu.memref_squeeze %dma_start3A_107 : memref<1x96xi32, #tpu.memory_space<vmem>> -> memref<96xi32, #tpu.memory_space<vmem>>
      %dma_start3A_109 = arith.constant 0 : i32
      %dma_start3A_110 = tpu.memref_slice %arg10[%dma_start3A_109] : memref<8192xf32, #tpu.memory_space<vmem_shared>> -> memref<8192xf32, #tpu.memory_space<vmem_shared>>
      tpu.enqueue_indirect_dma source(%arg9 : memref<96xf32, #tpu.memory_space<vmem>>) target(%dma_start3A_110 : memref<8192xf32, #tpu.memory_space<vmem_shared>>) offsets(%dma_start3A_108 : memref<96xi32, #tpu.memory_space<vmem>>) semaphore(%run_scoped3A_105 : memref<!tpu.dma_semaphore, #tpu.memory_space<semaphore_mem>>) {add = true}
      %dma_wait3A_111 = arith.constant 0 : i32
      %dma_wait3A_112 = tpu.memref_slice %arg7[%run_scoped3A_98, %dma_wait3A_111] : memref<3x96xi32, #tpu.memory_space<vmem>> -> memref<1x96xi32, #tpu.memory_space<vmem>>
      %dma_wait3A_113 = tpu.memref_squeeze %dma_wait3A_112 : memref<1x96xi32, #tpu.memory_space<vmem>> -> memref<96xi32, #tpu.memory_space<vmem>>
      %dma_wait3A_114 = arith.constant 0 : i32
      %dma_wait3A_115 = tpu.memref_slice %arg10[%dma_wait3A_114] : memref<8192xf32, #tpu.memory_space<vmem_shared>> -> memref<8192xf32, #tpu.memory_space<vmem_shared>>
      tpu.wait_indirect_dma semaphore(%run_scoped3A_105 : memref<!tpu.dma_semaphore, #tpu.memory_space<semaphore_mem>>) src(%arg9 : memref<96xf32, #tpu.memory_space<vmem>>) dst(%dma_wait3A_115 : memref<8192xf32, #tpu.memory_space<vmem_shared>>)
      tpu.yield
    }) : () -> ()
    %barrier3A_99 = arith.constant 0 : index
    tpu.barrier barrier_id(%barrier3A_99)
    %eq3A_100 = arith.constant 0 : i32
    %eq3A_101 = arith.cmpi eq, %arg1, %eq3A_100 : i32
    %convert_element_type3A_102 = arith.extui %eq3A_101 : i1 to i32
    %cond3A_103 = arith.constant 0 : i32
    %cond3A_104 = arith.cmpi ne, %convert_element_type3A_102, %cond3A_103 : i32
    scf.if %cond3A_104 {
      "tpu.region"() ({
        %run_scoped3A_105 = tpu.sem_alloc : memref<!tpu.dma_semaphore, #tpu.memory_space<semaphore_mem>>
        %dma_start3A_106 = arith.constant 0 : i32
        %dma_start3A_107 = tpu.memref_slice %arg6[%arg0, %dma_start3A_106] : memref<2x8192xf32, #tpu.memory_space<hbm>> -> memref<1x8192xf32, #tpu.memory_space<hbm>>
        %dma_start3A_108 = tpu.memref_squeeze %dma_start3A_107 : memref<1x8192xf32, #tpu.memory_space<hbm>> -> memref<8192xf32, #tpu.memory_space<hbm>>
        tpu.enqueue_dma source(%arg10 : memref<8192xf32, #tpu.memory_space<vmem_shared>>) target(%dma_start3A_108 : memref<8192xf32, #tpu.memory_space<hbm>>) target_semaphore(%run_scoped3A_105 : memref<!tpu.dma_semaphore, #tpu.memory_space<semaphore_mem>>)
        %dma_wait3A_109 = arith.constant 0 : i32
        %dma_wait3A_110 = tpu.memref_slice %arg6[%arg0, %dma_wait3A_109] : memref<2x8192xf32, #tpu.memory_space<hbm>> -> memref<1x8192xf32, #tpu.memory_space<hbm>>
        %dma_wait3A_111 = tpu.memref_squeeze %dma_wait3A_110 : memref<1x8192xf32, #tpu.memory_space<hbm>> -> memref<8192xf32, #tpu.memory_space<hbm>>
        tpu.wait_dma2 semaphore(%run_scoped3A_105 : memref<!tpu.dma_semaphore, #tpu.memory_space<semaphore_mem>>) src(%arg10 : memref<8192xf32, #tpu.memory_space<vmem_shared>>) dst(%dma_wait3A_111 : memref<8192xf32, #tpu.memory_space<hbm>>)
        tpu.yield
      }) : () -> ()
    } else {
    }
    return
  }
}

module attributes {stable_mosaic.version = 14 : i64} {
  func.func @_argmin_body(%arg0: i32, %arg1: memref<1x8192xf32, #tpu.memory_space<vmem>>, %arg2: memref<512x256xf32, #tpu.memory_space<vmem>>, %arg3: memref<8192x256xf32, #tpu.memory_space<vmem>>, %arg4: memref<1x1x512xi32, #tpu.memory_space<vmem>>, %arg5: memref<1x1xf32, #tpu.memory_space<vmem>>, %arg6: memref<8192x256xf32, #tpu.memory_space<vmem>>) attributes {dimension_semantics = [#tpu.dimension_semantics<arbitrary>], iteration_bounds = array<i64: 18>, scalar_prefetch = 0 : i64, scratch_operands = 1 : i64, tpu.core_type = #tpu.core_type<tc>, window_params = [{pipeline_mode = #tpu.pipeline_mode<synchronous>, transform_indices = @transform_0, window_bounds = array<i64: 1, 8192>}, {transform_indices = @transform_1, window_bounds = array<i64: 512, 256>}, {pipeline_mode = #tpu.pipeline_mode<synchronous>, transform_indices = @transform_2, window_bounds = array<i64: 8192, 256>}, {transform_indices = @transform_3, window_bounds = array<i64: 1, 1, 512>}, {pipeline_mode = #tpu.pipeline_mode<synchronous>, transform_indices = @transform_4, window_bounds = array<i64: 1, 1>}]} {
    %eq3A = arith.constant 0 : i32
    %eq3A_0 = arith.cmpi eq, %arg0, %eq3A : i32
    %convert_element_type3A = arith.extui %eq3A_0 : i1 to i32
    %cond3A = arith.constant 0 : i32
    %cond3A_1 = arith.cmpi ne, %convert_element_type3A, %cond3A : i32
    scf.if %cond3A_1 {
      %get3A_881 = arith.constant 0 : index
      %get3A_882 = arith.constant 0 : index
      %get3A_883 = vector.load %arg3[%get3A_881, %get3A_882] : memref<8192x256xf32, #tpu.memory_space<vmem>>, vector<8192x256xf32>
      %mul3A_884 = arith.constant -2.000000e+00 : f32
      %mul3A_885 = vector.broadcast %mul3A_884 : f32 to vector<8192x256xf32>
      %mul3A_886 = arith.mulf %get3A_883, %mul3A_885 : vector<8192x256xf32>
      %swap3A_887 = arith.constant 0 : index
      %swap3A_888 = arith.constant 0 : index
      %swap3A_889 = vector.load %arg6[%swap3A_887, %swap3A_888] : memref<8192x256xf32, #tpu.memory_space<vmem>>, vector<8192x256xf32>
      tpu.vector_store %arg6[%swap3A_887, %swap3A_888], %mul3A_886 {strides = array<i32>} : memref<8192x256xf32, #tpu.memory_space<vmem>>, vector<8192x256xf32>,
    } else {
    }
    %get3A = arith.constant 0 : index
    %get3A_2 = arith.constant 0 : index
    %get3A_3 = vector.load %arg2[%get3A, %get3A_2] : memref<512x256xf32, #tpu.memory_space<vmem>>, vector<512x256xf32>
    %mul3A = arith.mulf %get3A_3, %get3A_3 : vector<512x256xf32>
    %reduce_sum3A = arith.constant dense<0.000000e+00> : vector<512xf32>
    %reduce_sum3A_4 = vector.multi_reduction <add>, %mul3A, %reduce_sum3A [1] : vector<512x256xf32> to vector<512xf32>
    %broadcast_in_dim3A = vector.shape_cast %reduce_sum3A_4 : vector<512xf32> to vector<512x1xf32>
    %get3A_5 = arith.constant 0 : index
    %get3A_6 = arith.constant 0 : index
    %get3A_7 = vector.load %arg6[%get3A_5, %get3A_6] : memref<8192x256xf32, #tpu.memory_space<vmem>>, vector<2048x256xf32>
    %dot_general3A = arith.constant dense<0.000000e+00> : vector<512x2048xf32>
    %dot_general3A_8 = tpu.matmul %get3A_3, %get3A_7, %dot_general3A {dimension_numbers = #tpu.dot_dimension_numbers<[1], [1], [0], [0], [0, 0, 1, 0], [], []>, transpose_lhs_hint = false} : vector<512x256xf32>, vector<2048x256xf32>, vector<512x2048xf32> -> vector<512x2048xf32>
    %get3A_9 = arith.constant 0 : index
    %get3A_10 = arith.constant 0 : index
    %get3A_11 = vector.load %arg1[%get3A_9, %get3A_10] : memref<1x8192xf32, #tpu.memory_space<vmem>>, vector<1x128xf32>
    %add3A = vector.broadcast %broadcast_in_dim3A : vector<512x1xf32> to vector<512x128xf32>
    %add3A_12 = vector.broadcast %get3A_11 : vector<1x128xf32> to vector<512x128xf32>
    %add3A_13 = arith.addf %add3A, %add3A_12 : vector<512x128xf32>
    %slice3A = vector.extract_strided_slice %dot_general3A_8 {offsets = [0, 0], sizes = [512, 128], strides = [1, 1]} : vector<512x2048xf32> to vector<512x128xf32>
    %add3A_14 = arith.addf %add3A_13, %slice3A : vector<512x128xf32>
    %broadcast_in_dim3A_15 = arith.constant 0 : i32
    %broadcast_in_dim3A_16 = vector.broadcast %broadcast_in_dim3A_15 : i32 to vector<512x128xi32>
    %get3A_17 = arith.constant 0 : index
    %get3A_18 = arith.constant 128 : index
    %get3A_19 = vector.load %arg1[%get3A_17, %get3A_18] : memref<1x8192xf32, #tpu.memory_space<vmem>>, vector<1x128xf32>
    %add3A_20 = vector.broadcast %broadcast_in_dim3A : vector<512x1xf32> to vector<512x128xf32>
    %add3A_21 = vector.broadcast %get3A_19 : vector<1x128xf32> to vector<512x128xf32>
    %add3A_22 = arith.addf %add3A_20, %add3A_21 : vector<512x128xf32>
    %slice3A_23 = vector.extract_strided_slice %dot_general3A_8 {offsets = [0, 128], sizes = [512, 128], strides = [1, 1]} : vector<512x2048xf32> to vector<512x128xf32>
    %add3A_24 = arith.addf %add3A_22, %slice3A_23 : vector<512x128xf32>
    %lt3A = arith.cmpf olt, %add3A_24, %add3A_14 : vector<512x128xf32>
    %select_n3A = arith.select %lt3A, %add3A_24, %add3A_14 : vector<512x128xi1>, vector<512x128xf32>
    %broadcast_in_dim3A_25 = arith.constant 1 : i32
    %broadcast_in_dim3A_26 = vector.broadcast %broadcast_in_dim3A_25 : i32 to vector<512x128xi32>
    %select_n3A_27 = arith.select %lt3A, %broadcast_in_dim3A_26, %broadcast_in_dim3A_16 : vector<512x128xi1>, vector<512x128xi32>
    %get3A_28 = arith.constant 0 : index
    %get3A_29 = arith.constant 256 : index
    %get3A_30 = vector.load %arg1[%get3A_28, %get3A_29] : memref<1x8192xf32, #tpu.memory_space<vmem>>, vector<1x128xf32>
    %add3A_31 = vector.broadcast %broadcast_in_dim3A : vector<512x1xf32> to vector<512x128xf32>
    %add3A_32 = vector.broadcast %get3A_30 : vector<1x128xf32> to vector<512x128xf32>
    %add3A_33 = arith.addf %add3A_31, %add3A_32 : vector<512x128xf32>
    %slice3A_34 = vector.extract_strided_slice %dot_general3A_8 {offsets = [0, 256], sizes = [512, 128], strides = [1, 1]} : vector<512x2048xf32> to vector<512x128xf32>
    %add3A_35 = arith.addf %add3A_33, %slice3A_34 : vector<512x128xf32>
    %lt3A_36 = arith.cmpf olt, %add3A_35, %select_n3A : vector<512x128xf32>
    %select_n3A_37 = arith.select %lt3A_36, %add3A_35, %select_n3A : vector<512x128xi1>, vector<512x128xf32>
    %broadcast_in_dim3A_38 = arith.constant 2 : i32
    %broadcast_in_dim3A_39 = vector.broadcast %broadcast_in_dim3A_38 : i32 to vector<512x128xi32>
    %select_n3A_40 = arith.select %lt3A_36, %broadcast_in_dim3A_39, %select_n3A_27 : vector<512x128xi1>, vector<512x128xi32>
    %get3A_41 = arith.constant 0 : index
    %get3A_42 = arith.constant 384 : index
    %get3A_43 = vector.load %arg1[%get3A_41, %get3A_42] : memref<1x8192xf32, #tpu.memory_space<vmem>>, vector<1x128xf32>
    %add3A_44 = vector.broadcast %broadcast_in_dim3A : vector<512x1xf32> to vector<512x128xf32>
    %add3A_45 = vector.broadcast %get3A_43 : vector<1x128xf32> to vector<512x128xf32>
    %add3A_46 = arith.addf %add3A_44, %add3A_45 : vector<512x128xf32>
    %slice3A_47 = vector.extract_strided_slice %dot_general3A_8 {offsets = [0, 384], sizes = [512, 128], strides = [1, 1]} : vector<512x2048xf32> to vector<512x128xf32>
    %add3A_48 = arith.addf %add3A_46, %slice3A_47 : vector<512x128xf32>
    %lt3A_49 = arith.cmpf olt, %add3A_48, %select_n3A_37 : vector<512x128xf32>
    %select_n3A_50 = arith.select %lt3A_49, %add3A_48, %select_n3A_37 : vector<512x128xi1>, vector<512x128xf32>
    %broadcast_in_dim3A_51 = arith.constant 3 : i32
    %broadcast_in_dim3A_52 = vector.broadcast %broadcast_in_dim3A_51 : i32 to vector<512x128xi32>
    %select_n3A_53 = arith.select %lt3A_49, %broadcast_in_dim3A_52, %select_n3A_40 : vector<512x128xi1>, vector<512x128xi32>
    %get3A_54 = arith.constant 0 : index
    %get3A_55 = arith.constant 512 : index
    %get3A_56 = vector.load %arg1[%get3A_54, %get3A_55] : memref<1x8192xf32, #tpu.memory_space<vmem>>, vector<1x128xf32>
    %add3A_57 = vector.broadcast %broadcast_in_dim3A : vector<512x1xf32> to vector<512x128xf32>
    %add3A_58 = vector.broadcast %get3A_56 : vector<1x128xf32> to vector<512x128xf32>
    %add3A_59 = arith.addf %add3A_57, %add3A_58 : vector<512x128xf32>
    %slice3A_60 = vector.extract_strided_slice %dot_general3A_8 {offsets = [0, 512], sizes = [512, 128], strides = [1, 1]} : vector<512x2048xf32> to vector<512x128xf32>
    %add3A_61 = arith.addf %add3A_59, %slice3A_60 : vector<512x128xf32>
    %lt3A_62 = arith.cmpf olt, %add3A_61, %select_n3A_50 : vector<512x128xf32>
    %select_n3A_63 = arith.select %lt3A_62, %add3A_61, %select_n3A_50 : vector<512x128xi1>, vector<512x128xf32>
    %broadcast_in_dim3A_64 = arith.constant 4 : i32
    %broadcast_in_dim3A_65 = vector.broadcast %broadcast_in_dim3A_64 : i32 to vector<512x128xi32>
    %select_n3A_66 = arith.select %lt3A_62, %broadcast_in_dim3A_65, %select_n3A_53 : vector<512x128xi1>, vector<512x128xi32>
    %get3A_67 = arith.constant 0 : index
    %get3A_68 = arith.constant 640 : index
    %get3A_69 = vector.load %arg1[%get3A_67, %get3A_68] : memref<1x8192xf32, #tpu.memory_space<vmem>>, vector<1x128xf32>
    %add3A_70 = vector.broadcast %broadcast_in_dim3A : vector<512x1xf32> to vector<512x128xf32>
    %add3A_71 = vector.broadcast %get3A_69 : vector<1x128xf32> to vector<512x128xf32>
    %add3A_72 = arith.addf %add3A_70, %add3A_71 : vector<512x128xf32>
    %slice3A_73 = vector.extract_strided_slice %dot_general3A_8 {offsets = [0, 640], sizes = [512, 128], strides = [1, 1]} : vector<512x2048xf32> to vector<512x128xf32>
    %add3A_74 = arith.addf %add3A_72, %slice3A_73 : vector<512x128xf32>
    %lt3A_75 = arith.cmpf olt, %add3A_74, %select_n3A_63 : vector<512x128xf32>
    %select_n3A_76 = arith.select %lt3A_75, %add3A_74, %select_n3A_63 : vector<512x128xi1>, vector<512x128xf32>
    %broadcast_in_dim3A_77 = arith.constant 5 : i32
    %broadcast_in_dim3A_78 = vector.broadcast %broadcast_in_dim3A_77 : i32 to vector<512x128xi32>
    %select_n3A_79 = arith.select %lt3A_75, %broadcast_in_dim3A_78, %select_n3A_66 : vector<512x128xi1>, vector<512x128xi32>
    %get3A_80 = arith.constant 0 : index
    %get3A_81 = arith.constant 768 : index
    %get3A_82 = vector.load %arg1[%get3A_80, %get3A_81] : memref<1x8192xf32, #tpu.memory_space<vmem>>, vector<1x128xf32>
    %add3A_83 = vector.broadcast %broadcast_in_dim3A : vector<512x1xf32> to vector<512x128xf32>
    %add3A_84 = vector.broadcast %get3A_82 : vector<1x128xf32> to vector<512x128xf32>
    %add3A_85 = arith.addf %add3A_83, %add3A_84 : vector<512x128xf32>
    %slice3A_86 = vector.extract_strided_slice %dot_general3A_8 {offsets = [0, 768], sizes = [512, 128], strides = [1, 1]} : vector<512x2048xf32> to vector<512x128xf32>
    %add3A_87 = arith.addf %add3A_85, %slice3A_86 : vector<512x128xf32>
    %lt3A_88 = arith.cmpf olt, %add3A_87, %select_n3A_76 : vector<512x128xf32>
    %select_n3A_89 = arith.select %lt3A_88, %add3A_87, %select_n3A_76 : vector<512x128xi1>, vector<512x128xf32>
    %broadcast_in_dim3A_90 = arith.constant 6 : i32
    %broadcast_in_dim3A_91 = vector.broadcast %broadcast_in_dim3A_90 : i32 to vector<512x128xi32>
    %select_n3A_92 = arith.select %lt3A_88, %broadcast_in_dim3A_91, %select_n3A_79 : vector<512x128xi1>, vector<512x128xi32>
    %get3A_93 = arith.constant 0 : index
    %get3A_94 = arith.constant 896 : index
    %get3A_95 = vector.load %arg1[%get3A_93, %get3A_94] : memref<1x8192xf32, #tpu.memory_space<vmem>>, vector<1x128xf32>
    %add3A_96 = vector.broadcast %broadcast_in_dim3A : vector<512x1xf32> to vector<512x128xf32>
    %add3A_97 = vector.broadcast %get3A_95 : vector<1x128xf32> to vector<512x128xf32>
    %add3A_98 = arith.addf %add3A_96, %add3A_97 : vector<512x128xf32>
    %slice3A_99 = vector.extract_strided_slice %dot_general3A_8 {offsets = [0, 896], sizes = [512, 128], strides = [1, 1]} : vector<512x2048xf32> to vector<512x128xf32>
    %add3A_100 = arith.addf %add3A_98, %slice3A_99 : vector<512x128xf32>
    %lt3A_101 = arith.cmpf olt, %add3A_100, %select_n3A_89 : vector<512x128xf32>
    %select_n3A_102 = arith.select %lt3A_101, %add3A_100, %select_n3A_89 : vector<512x128xi1>, vector<512x128xf32>
    %broadcast_in_dim3A_103 = arith.constant 7 : i32
    %broadcast_in_dim3A_104 = vector.broadcast %broadcast_in_dim3A_103 : i32 to vector<512x128xi32>
    %select_n3A_105 = arith.select %lt3A_101, %broadcast_in_dim3A_104, %select_n3A_92 : vector<512x128xi1>, vector<512x128xi32>
    %get3A_106 = arith.constant 0 : index
    %get3A_107 = arith.constant 1024 : index
    %get3A_108 = vector.load %arg1[%get3A_106, %get3A_107] : memref<1x8192xf32, #tpu.memory_space<vmem>>, vector<1x128xf32>
    %add3A_109 = vector.broadcast %broadcast_in_dim3A : vector<512x1xf32> to vector<512x128xf32>
    %add3A_110 = vector.broadcast %get3A_108 : vector<1x128xf32> to vector<512x128xf32>
    %add3A_111 = arith.addf %add3A_109, %add3A_110 : vector<512x128xf32>
    %slice3A_112 = vector.extract_strided_slice %dot_general3A_8 {offsets = [0, 1024], sizes = [512, 128], strides = [1, 1]} : vector<512x2048xf32> to vector<512x128xf32>
    %add3A_113 = arith.addf %add3A_111, %slice3A_112 : vector<512x128xf32>
    %lt3A_114 = arith.cmpf olt, %add3A_113, %select_n3A_102 : vector<512x128xf32>
    %select_n3A_115 = arith.select %lt3A_114, %add3A_113, %select_n3A_102 : vector<512x128xi1>, vector<512x128xf32>
    %broadcast_in_dim3A_116 = arith.constant 8 : i32
    %broadcast_in_dim3A_117 = vector.broadcast %broadcast_in_dim3A_116 : i32 to vector<512x128xi32>
    %select_n3A_118 = arith.select %lt3A_114, %broadcast_in_dim3A_117, %select_n3A_105 : vector<512x128xi1>, vector<512x128xi32>
    %get3A_119 = arith.constant 0 : index
    %get3A_120 = arith.constant 1152 : index
    %get3A_121 = vector.load %arg1[%get3A_119, %get3A_120] : memref<1x8192xf32, #tpu.memory_space<vmem>>, vector<1x128xf32>
    %add3A_122 = vector.broadcast %broadcast_in_dim3A : vector<512x1xf32> to vector<512x128xf32>
    %add3A_123 = vector.broadcast %get3A_121 : vector<1x128xf32> to vector<512x128xf32>
    %add3A_124 = arith.addf %add3A_122, %add3A_123 : vector<512x128xf32>
    %slice3A_125 = vector.extract_strided_slice %dot_general3A_8 {offsets = [0, 1152], sizes = [512, 128], strides = [1, 1]} : vector<512x2048xf32> to vector<512x128xf32>
    %add3A_126 = arith.addf %add3A_124, %slice3A_125 : vector<512x128xf32>
    %lt3A_127 = arith.cmpf olt, %add3A_126, %select_n3A_115 : vector<512x128xf32>
    %select_n3A_128 = arith.select %lt3A_127, %add3A_126, %select_n3A_115 : vector<512x128xi1>, vector<512x128xf32>
    %broadcast_in_dim3A_129 = arith.constant 9 : i32
    %broadcast_in_dim3A_130 = vector.broadcast %broadcast_in_dim3A_129 : i32 to vector<512x128xi32>
    %select_n3A_131 = arith.select %lt3A_127, %broadcast_in_dim3A_130, %select_n3A_118 : vector<512x128xi1>, vector<512x128xi32>
    %get3A_132 = arith.constant 0 : index
    %get3A_133 = arith.constant 1280 : index
    %get3A_134 = vector.load %arg1[%get3A_132, %get3A_133] : memref<1x8192xf32, #tpu.memory_space<vmem>>, vector<1x128xf32>
    %add3A_135 = vector.broadcast %broadcast_in_dim3A : vector<512x1xf32> to vector<512x128xf32>
    %add3A_136 = vector.broadcast %get3A_134 : vector<1x128xf32> to vector<512x128xf32>
    %add3A_137 = arith.addf %add3A_135, %add3A_136 : vector<512x128xf32>
    %slice3A_138 = vector.extract_strided_slice %dot_general3A_8 {offsets = [0, 1280], sizes = [512, 128], strides = [1, 1]} : vector<512x2048xf32> to vector<512x128xf32>
    %add3A_139 = arith.addf %add3A_137, %slice3A_138 : vector<512x128xf32>
    %lt3A_140 = arith.cmpf olt, %add3A_139, %select_n3A_128 : vector<512x128xf32>
    %select_n3A_141 = arith.select %lt3A_140, %add3A_139, %select_n3A_128 : vector<512x128xi1>, vector<512x128xf32>
    %broadcast_in_dim3A_142 = arith.constant 10 : i32
    %broadcast_in_dim3A_143 = vector.broadcast %broadcast_in_dim3A_142 : i32 to vector<512x128xi32>
    %select_n3A_144 = arith.select %lt3A_140, %broadcast_in_dim3A_143, %select_n3A_131 : vector<512x128xi1>, vector<512x128xi32>
    %get3A_145 = arith.constant 0 : index
    %get3A_146 = arith.constant 1408 : index
    %get3A_147 = vector.load %arg1[%get3A_145, %get3A_146] : memref<1x8192xf32, #tpu.memory_space<vmem>>, vector<1x128xf32>
    %add3A_148 = vector.broadcast %broadcast_in_dim3A : vector<512x1xf32> to vector<512x128xf32>
    %add3A_149 = vector.broadcast %get3A_147 : vector<1x128xf32> to vector<512x128xf32>
    %add3A_150 = arith.addf %add3A_148, %add3A_149 : vector<512x128xf32>
    %slice3A_151 = vector.extract_strided_slice %dot_general3A_8 {offsets = [0, 1408], sizes = [512, 128], strides = [1, 1]} : vector<512x2048xf32> to vector<512x128xf32>
    %add3A_152 = arith.addf %add3A_150, %slice3A_151 : vector<512x128xf32>
    %lt3A_153 = arith.cmpf olt, %add3A_152, %select_n3A_141 : vector<512x128xf32>
    %select_n3A_154 = arith.select %lt3A_153, %add3A_152, %select_n3A_141 : vector<512x128xi1>, vector<512x128xf32>
    %broadcast_in_dim3A_155 = arith.constant 11 : i32
    %broadcast_in_dim3A_156 = vector.broadcast %broadcast_in_dim3A_155 : i32 to vector<512x128xi32>
    %select_n3A_157 = arith.select %lt3A_153, %broadcast_in_dim3A_156, %select_n3A_144 : vector<512x128xi1>, vector<512x128xi32>
    %get3A_158 = arith.constant 0 : index
    %get3A_159 = arith.constant 1536 : index
    %get3A_160 = vector.load %arg1[%get3A_158, %get3A_159] : memref<1x8192xf32, #tpu.memory_space<vmem>>, vector<1x128xf32>
    %add3A_161 = vector.broadcast %broadcast_in_dim3A : vector<512x1xf32> to vector<512x128xf32>
    %add3A_162 = vector.broadcast %get3A_160 : vector<1x128xf32> to vector<512x128xf32>
    %add3A_163 = arith.addf %add3A_161, %add3A_162 : vector<512x128xf32>
    %slice3A_164 = vector.extract_strided_slice %dot_general3A_8 {offsets = [0, 1536], sizes = [512, 128], strides = [1, 1]} : vector<512x2048xf32> to vector<512x128xf32>
    %add3A_165 = arith.addf %add3A_163, %slice3A_164 : vector<512x128xf32>
    %lt3A_166 = arith.cmpf olt, %add3A_165, %select_n3A_154 : vector<512x128xf32>
    %select_n3A_167 = arith.select %lt3A_166, %add3A_165, %select_n3A_154 : vector<512x128xi1>, vector<512x128xf32>
    %broadcast_in_dim3A_168 = arith.constant 12 : i32
    %broadcast_in_dim3A_169 = vector.broadcast %broadcast_in_dim3A_168 : i32 to vector<512x128xi32>
    %select_n3A_170 = arith.select %lt3A_166, %broadcast_in_dim3A_169, %select_n3A_157 : vector<512x128xi1>, vector<512x128xi32>
    %get3A_171 = arith.constant 0 : index
    %get3A_172 = arith.constant 1664 : index
    %get3A_173 = vector.load %arg1[%get3A_171, %get3A_172] : memref<1x8192xf32, #tpu.memory_space<vmem>>, vector<1x128xf32>
    %add3A_174 = vector.broadcast %broadcast_in_dim3A : vector<512x1xf32> to vector<512x128xf32>
    %add3A_175 = vector.broadcast %get3A_173 : vector<1x128xf32> to vector<512x128xf32>
    %add3A_176 = arith.addf %add3A_174, %add3A_175 : vector<512x128xf32>
    %slice3A_177 = vector.extract_strided_slice %dot_general3A_8 {offsets = [0, 1664], sizes = [512, 128], strides = [1, 1]} : vector<512x2048xf32> to vector<512x128xf32>
    %add3A_178 = arith.addf %add3A_176, %slice3A_177 : vector<512x128xf32>
    %lt3A_179 = arith.cmpf olt, %add3A_178, %select_n3A_167 : vector<512x128xf32>
    %select_n3A_180 = arith.select %lt3A_179, %add3A_178, %select_n3A_167 : vector<512x128xi1>, vector<512x128xf32>
    %broadcast_in_dim3A_181 = arith.constant 13 : i32
    %broadcast_in_dim3A_182 = vector.broadcast %broadcast_in_dim3A_181 : i32 to vector<512x128xi32>
    %select_n3A_183 = arith.select %lt3A_179, %broadcast_in_dim3A_182, %select_n3A_170 : vector<512x128xi1>, vector<512x128xi32>
    %get3A_184 = arith.constant 0 : index
    %get3A_185 = arith.constant 1792 : index
    %get3A_186 = vector.load %arg1[%get3A_184, %get3A_185] : memref<1x8192xf32, #tpu.memory_space<vmem>>, vector<1x128xf32>
    %add3A_187 = vector.broadcast %broadcast_in_dim3A : vector<512x1xf32> to vector<512x128xf32>
    %add3A_188 = vector.broadcast %get3A_186 : vector<1x128xf32> to vector<512x128xf32>
    %add3A_189 = arith.addf %add3A_187, %add3A_188 : vector<512x128xf32>
    %slice3A_190 = vector.extract_strided_slice %dot_general3A_8 {offsets = [0, 1792], sizes = [512, 128], strides = [1, 1]} : vector<512x2048xf32> to vector<512x128xf32>
    %add3A_191 = arith.addf %add3A_189, %slice3A_190 : vector<512x128xf32>
    %lt3A_192 = arith.cmpf olt, %add3A_191, %select_n3A_180 : vector<512x128xf32>
    %select_n3A_193 = arith.select %lt3A_192, %add3A_191, %select_n3A_180 : vector<512x128xi1>, vector<512x128xf32>
    %broadcast_in_dim3A_194 = arith.constant 14 : i32
    %broadcast_in_dim3A_195 = vector.broadcast %broadcast_in_dim3A_194 : i32 to vector<512x128xi32>
    %select_n3A_196 = arith.select %lt3A_192, %broadcast_in_dim3A_195, %select_n3A_183 : vector<512x128xi1>, vector<512x128xi32>
    %get3A_197 = arith.constant 0 : index
    %get3A_198 = arith.constant 1920 : index
    %get3A_199 = vector.load %arg1[%get3A_197, %get3A_198] : memref<1x8192xf32, #tpu.memory_space<vmem>>, vector<1x128xf32>
    %add3A_200 = vector.broadcast %broadcast_in_dim3A : vector<512x1xf32> to vector<512x128xf32>
    %add3A_201 = vector.broadcast %get3A_199 : vector<1x128xf32> to vector<512x128xf32>
    %add3A_202 = arith.addf %add3A_200, %add3A_201 : vector<512x128xf32>
    %slice3A_203 = vector.extract_strided_slice %dot_general3A_8 {offsets = [0, 1920], sizes = [512, 128], strides = [1, 1]} : vector<512x2048xf32> to vector<512x128xf32>
    %add3A_204 = arith.addf %add3A_202, %slice3A_203 : vector<512x128xf32>
    %lt3A_205 = arith.cmpf olt, %add3A_204, %select_n3A_193 : vector<512x128xf32>
    %select_n3A_206 = arith.select %lt3A_205, %add3A_204, %select_n3A_193 : vector<512x128xi1>, vector<512x128xf32>
    %broadcast_in_dim3A_207 = arith.constant 15 : i32
    %broadcast_in_dim3A_208 = vector.broadcast %broadcast_in_dim3A_207 : i32 to vector<512x128xi32>
    %select_n3A_209 = arith.select %lt3A_205, %broadcast_in_dim3A_208, %select_n3A_196 : vector<512x128xi1>, vector<512x128xi32>
    %get3A_210 = arith.constant 2048 : index
    %get3A_211 = arith.constant 0 : index
    %get3A_212 = vector.load %arg6[%get3A_210, %get3A_211] : memref<8192x256xf32, #tpu.memory_space<vmem>>, vector<2048x256xf32>
    %dot_general3A_213 = arith.constant dense<0.000000e+00> : vector<512x2048xf32>
    %dot_general3A_214 = tpu.matmul %get3A_3, %get3A_212, %dot_general3A_213 {dimension_numbers = #tpu.dot_dimension_numbers<[1], [1], [0], [0], [0, 0, 1, 0], [], []>, transpose_lhs_hint = false} : vector<512x256xf32>, vector<2048x256xf32>, vector<512x2048xf32> -> vector<512x2048xf32>
    %get3A_215 = arith.constant 0 : index
    %get3A_216 = arith.constant 2048 : index
    %get3A_217 = vector.load %arg1[%get3A_215, %get3A_216] : memref<1x8192xf32, #tpu.memory_space<vmem>>, vector<1x128xf32>
    %add3A_218 = vector.broadcast %broadcast_in_dim3A : vector<512x1xf32> to vector<512x128xf32>
    %add3A_219 = vector.broadcast %get3A_217 : vector<1x128xf32> to vector<512x128xf32>
    %add3A_220 = arith.addf %add3A_218, %add3A_219 : vector<512x128xf32>
    %slice3A_221 = vector.extract_strided_slice %dot_general3A_214 {offsets = [0, 0], sizes = [512, 128], strides = [1, 1]} : vector<512x2048xf32> to vector<512x128xf32>
    %add3A_222 = arith.addf %add3A_220, %slice3A_221 : vector<512x128xf32>
    %lt3A_223 = arith.cmpf olt, %add3A_222, %select_n3A_206 : vector<512x128xf32>
    %select_n3A_224 = arith.select %lt3A_223, %add3A_222, %select_n3A_206 : vector<512x128xi1>, vector<512x128xf32>
    %broadcast_in_dim3A_225 = arith.constant 16 : i32
    %broadcast_in_dim3A_226 = vector.broadcast %broadcast_in_dim3A_225 : i32 to vector<512x128xi32>
    %select_n3A_227 = arith.select %lt3A_223, %broadcast_in_dim3A_226, %select_n3A_209 : vector<512x128xi1>, vector<512x128xi32>
    %get3A_228 = arith.constant 0 : index
    %get3A_229 = arith.constant 2176 : index
    %get3A_230 = vector.load %arg1[%get3A_228, %get3A_229] : memref<1x8192xf32, #tpu.memory_space<vmem>>, vector<1x128xf32>
    %add3A_231 = vector.broadcast %broadcast_in_dim3A : vector<512x1xf32> to vector<512x128xf32>
    %add3A_232 = vector.broadcast %get3A_230 : vector<1x128xf32> to vector<512x128xf32>
    %add3A_233 = arith.addf %add3A_231, %add3A_232 : vector<512x128xf32>
    %slice3A_234 = vector.extract_strided_slice %dot_general3A_214 {offsets = [0, 128], sizes = [512, 128], strides = [1, 1]} : vector<512x2048xf32> to vector<512x128xf32>
    %add3A_235 = arith.addf %add3A_233, %slice3A_234 : vector<512x128xf32>
    %lt3A_236 = arith.cmpf olt, %add3A_235, %select_n3A_224 : vector<512x128xf32>
    %select_n3A_237 = arith.select %lt3A_236, %add3A_235, %select_n3A_224 : vector<512x128xi1>, vector<512x128xf32>
    %broadcast_in_dim3A_238 = arith.constant 17 : i32
    %broadcast_in_dim3A_239 = vector.broadcast %broadcast_in_dim3A_238 : i32 to vector<512x128xi32>
    %select_n3A_240 = arith.select %lt3A_236, %broadcast_in_dim3A_239, %select_n3A_227 : vector<512x128xi1>, vector<512x128xi32>
    %get3A_241 = arith.constant 0 : index
    %get3A_242 = arith.constant 2304 : index
    %get3A_243 = vector.load %arg1[%get3A_241, %get3A_242] : memref<1x8192xf32, #tpu.memory_space<vmem>>, vector<1x128xf32>
    %add3A_244 = vector.broadcast %broadcast_in_dim3A : vector<512x1xf32> to vector<512x128xf32>
    %add3A_245 = vector.broadcast %get3A_243 : vector<1x128xf32> to vector<512x128xf32>
    %add3A_246 = arith.addf %add3A_244, %add3A_245 : vector<512x128xf32>
    %slice3A_247 = vector.extract_strided_slice %dot_general3A_214 {offsets = [0, 256], sizes = [512, 128], strides = [1, 1]} : vector<512x2048xf32> to vector<512x128xf32>
    %add3A_248 = arith.addf %add3A_246, %slice3A_247 : vector<512x128xf32>
    %lt3A_249 = arith.cmpf olt, %add3A_248, %select_n3A_237 : vector<512x128xf32>
    %select_n3A_250 = arith.select %lt3A_249, %add3A_248, %select_n3A_237 : vector<512x128xi1>, vector<512x128xf32>
    %broadcast_in_dim3A_251 = arith.constant 18 : i32
    %broadcast_in_dim3A_252 = vector.broadcast %broadcast_in_dim3A_251 : i32 to vector<512x128xi32>
    %select_n3A_253 = arith.select %lt3A_249, %broadcast_in_dim3A_252, %select_n3A_240 : vector<512x128xi1>, vector<512x128xi32>
    %get3A_254 = arith.constant 0 : index
    %get3A_255 = arith.constant 2432 : index
    %get3A_256 = vector.load %arg1[%get3A_254, %get3A_255] : memref<1x8192xf32, #tpu.memory_space<vmem>>, vector<1x128xf32>
    %add3A_257 = vector.broadcast %broadcast_in_dim3A : vector<512x1xf32> to vector<512x128xf32>
    %add3A_258 = vector.broadcast %get3A_256 : vector<1x128xf32> to vector<512x128xf32>
    %add3A_259 = arith.addf %add3A_257, %add3A_258 : vector<512x128xf32>
    %slice3A_260 = vector.extract_strided_slice %dot_general3A_214 {offsets = [0, 384], sizes = [512, 128], strides = [1, 1]} : vector<512x2048xf32> to vector<512x128xf32>
    %add3A_261 = arith.addf %add3A_259, %slice3A_260 : vector<512x128xf32>
    %lt3A_262 = arith.cmpf olt, %add3A_261, %select_n3A_250 : vector<512x128xf32>
    %select_n3A_263 = arith.select %lt3A_262, %add3A_261, %select_n3A_250 : vector<512x128xi1>, vector<512x128xf32>
    %broadcast_in_dim3A_264 = arith.constant 19 : i32
    %broadcast_in_dim3A_265 = vector.broadcast %broadcast_in_dim3A_264 : i32 to vector<512x128xi32>
    %select_n3A_266 = arith.select %lt3A_262, %broadcast_in_dim3A_265, %select_n3A_253 : vector<512x128xi1>, vector<512x128xi32>
    %get3A_267 = arith.constant 0 : index
    %get3A_268 = arith.constant 2560 : index
    %get3A_269 = vector.load %arg1[%get3A_267, %get3A_268] : memref<1x8192xf32, #tpu.memory_space<vmem>>, vector<1x128xf32>
    %add3A_270 = vector.broadcast %broadcast_in_dim3A : vector<512x1xf32> to vector<512x128xf32>
    %add3A_271 = vector.broadcast %get3A_269 : vector<1x128xf32> to vector<512x128xf32>
    %add3A_272 = arith.addf %add3A_270, %add3A_271 : vector<512x128xf32>
    %slice3A_273 = vector.extract_strided_slice %dot_general3A_214 {offsets = [0, 512], sizes = [512, 128], strides = [1, 1]} : vector<512x2048xf32> to vector<512x128xf32>
    %add3A_274 = arith.addf %add3A_272, %slice3A_273 : vector<512x128xf32>
    %lt3A_275 = arith.cmpf olt, %add3A_274, %select_n3A_263 : vector<512x128xf32>
    %select_n3A_276 = arith.select %lt3A_275, %add3A_274, %select_n3A_263 : vector<512x128xi1>, vector<512x128xf32>
    %broadcast_in_dim3A_277 = arith.constant 20 : i32
    %broadcast_in_dim3A_278 = vector.broadcast %broadcast_in_dim3A_277 : i32 to vector<512x128xi32>
    %select_n3A_279 = arith.select %lt3A_275, %broadcast_in_dim3A_278, %select_n3A_266 : vector<512x128xi1>, vector<512x128xi32>
    %get3A_280 = arith.constant 0 : index
    %get3A_281 = arith.constant 2688 : index
    %get3A_282 = vector.load %arg1[%get3A_280, %get3A_281] : memref<1x8192xf32, #tpu.memory_space<vmem>>, vector<1x128xf32>
    %add3A_283 = vector.broadcast %broadcast_in_dim3A : vector<512x1xf32> to vector<512x128xf32>
    %add3A_284 = vector.broadcast %get3A_282 : vector<1x128xf32> to vector<512x128xf32>
    %add3A_285 = arith.addf %add3A_283, %add3A_284 : vector<512x128xf32>
    %slice3A_286 = vector.extract_strided_slice %dot_general3A_214 {offsets = [0, 640], sizes = [512, 128], strides = [1, 1]} : vector<512x2048xf32> to vector<512x128xf32>
    %add3A_287 = arith.addf %add3A_285, %slice3A_286 : vector<512x128xf32>
    %lt3A_288 = arith.cmpf olt, %add3A_287, %select_n3A_276 : vector<512x128xf32>
    %select_n3A_289 = arith.select %lt3A_288, %add3A_287, %select_n3A_276 : vector<512x128xi1>, vector<512x128xf32>
    %broadcast_in_dim3A_290 = arith.constant 21 : i32
    %broadcast_in_dim3A_291 = vector.broadcast %broadcast_in_dim3A_290 : i32 to vector<512x128xi32>
    %select_n3A_292 = arith.select %lt3A_288, %broadcast_in_dim3A_291, %select_n3A_279 : vector<512x128xi1>, vector<512x128xi32>
    %get3A_293 = arith.constant 0 : index
    %get3A_294 = arith.constant 2816 : index
    %get3A_295 = vector.load %arg1[%get3A_293, %get3A_294] : memref<1x8192xf32, #tpu.memory_space<vmem>>, vector<1x128xf32>
    %add3A_296 = vector.broadcast %broadcast_in_dim3A : vector<512x1xf32> to vector<512x128xf32>
    %add3A_297 = vector.broadcast %get3A_295 : vector<1x128xf32> to vector<512x128xf32>
    %add3A_298 = arith.addf %add3A_296, %add3A_297 : vector<512x128xf32>
    %slice3A_299 = vector.extract_strided_slice %dot_general3A_214 {offsets = [0, 768], sizes = [512, 128], strides = [1, 1]} : vector<512x2048xf32> to vector<512x128xf32>
    %add3A_300 = arith.addf %add3A_298, %slice3A_299 : vector<512x128xf32>
    %lt3A_301 = arith.cmpf olt, %add3A_300, %select_n3A_289 : vector<512x128xf32>
    %select_n3A_302 = arith.select %lt3A_301, %add3A_300, %select_n3A_289 : vector<512x128xi1>, vector<512x128xf32>
    %broadcast_in_dim3A_303 = arith.constant 22 : i32
    %broadcast_in_dim3A_304 = vector.broadcast %broadcast_in_dim3A_303 : i32 to vector<512x128xi32>
    %select_n3A_305 = arith.select %lt3A_301, %broadcast_in_dim3A_304, %select_n3A_292 : vector<512x128xi1>, vector<512x128xi32>
    %get3A_306 = arith.constant 0 : index
    %get3A_307 = arith.constant 2944 : index
    %get3A_308 = vector.load %arg1[%get3A_306, %get3A_307] : memref<1x8192xf32, #tpu.memory_space<vmem>>, vector<1x128xf32>
    %add3A_309 = vector.broadcast %broadcast_in_dim3A : vector<512x1xf32> to vector<512x128xf32>
    %add3A_310 = vector.broadcast %get3A_308 : vector<1x128xf32> to vector<512x128xf32>
    %add3A_311 = arith.addf %add3A_309, %add3A_310 : vector<512x128xf32>
    %slice3A_312 = vector.extract_strided_slice %dot_general3A_214 {offsets = [0, 896], sizes = [512, 128], strides = [1, 1]} : vector<512x2048xf32> to vector<512x128xf32>
    %add3A_313 = arith.addf %add3A_311, %slice3A_312 : vector<512x128xf32>
    %lt3A_314 = arith.cmpf olt, %add3A_313, %select_n3A_302 : vector<512x128xf32>
    %select_n3A_315 = arith.select %lt3A_314, %add3A_313, %select_n3A_302 : vector<512x128xi1>, vector<512x128xf32>
    %broadcast_in_dim3A_316 = arith.constant 23 : i32
    %broadcast_in_dim3A_317 = vector.broadcast %broadcast_in_dim3A_316 : i32 to vector<512x128xi32>
    %select_n3A_318 = arith.select %lt3A_314, %broadcast_in_dim3A_317, %select_n3A_305 : vector<512x128xi1>, vector<512x128xi32>
    %get3A_319 = arith.constant 0 : index
    %get3A_320 = arith.constant 3072 : index
    %get3A_321 = vector.load %arg1[%get3A_319, %get3A_320] : memref<1x8192xf32, #tpu.memory_space<vmem>>, vector<1x128xf32>
    %add3A_322 = vector.broadcast %broadcast_in_dim3A : vector<512x1xf32> to vector<512x128xf32>
    %add3A_323 = vector.broadcast %get3A_321 : vector<1x128xf32> to vector<512x128xf32>
    %add3A_324 = arith.addf %add3A_322, %add3A_323 : vector<512x128xf32>
    %slice3A_325 = vector.extract_strided_slice %dot_general3A_214 {offsets = [0, 1024], sizes = [512, 128], strides = [1, 1]} : vector<512x2048xf32> to vector<512x128xf32>
    %add3A_326 = arith.addf %add3A_324, %slice3A_325 : vector<512x128xf32>
    %lt3A_327 = arith.cmpf olt, %add3A_326, %select_n3A_315 : vector<512x128xf32>
    %select_n3A_328 = arith.select %lt3A_327, %add3A_326, %select_n3A_315 : vector<512x128xi1>, vector<512x128xf32>
    %broadcast_in_dim3A_329 = arith.constant 24 : i32
    %broadcast_in_dim3A_330 = vector.broadcast %broadcast_in_dim3A_329 : i32 to vector<512x128xi32>
    %select_n3A_331 = arith.select %lt3A_327, %broadcast_in_dim3A_330, %select_n3A_318 : vector<512x128xi1>, vector<512x128xi32>
    %get3A_332 = arith.constant 0 : index
    %get3A_333 = arith.constant 3200 : index
    %get3A_334 = vector.load %arg1[%get3A_332, %get3A_333] : memref<1x8192xf32, #tpu.memory_space<vmem>>, vector<1x128xf32>
    %add3A_335 = vector.broadcast %broadcast_in_dim3A : vector<512x1xf32> to vector<512x128xf32>
    %add3A_336 = vector.broadcast %get3A_334 : vector<1x128xf32> to vector<512x128xf32>
    %add3A_337 = arith.addf %add3A_335, %add3A_336 : vector<512x128xf32>
    %slice3A_338 = vector.extract_strided_slice %dot_general3A_214 {offsets = [0, 1152], sizes = [512, 128], strides = [1, 1]} : vector<512x2048xf32> to vector<512x128xf32>
    %add3A_339 = arith.addf %add3A_337, %slice3A_338 : vector<512x128xf32>
    %lt3A_340 = arith.cmpf olt, %add3A_339, %select_n3A_328 : vector<512x128xf32>
    %select_n3A_341 = arith.select %lt3A_340, %add3A_339, %select_n3A_328 : vector<512x128xi1>, vector<512x128xf32>
    %broadcast_in_dim3A_342 = arith.constant 25 : i32
    %broadcast_in_dim3A_343 = vector.broadcast %broadcast_in_dim3A_342 : i32 to vector<512x128xi32>
    %select_n3A_344 = arith.select %lt3A_340, %broadcast_in_dim3A_343, %select_n3A_331 : vector<512x128xi1>, vector<512x128xi32>
    %get3A_345 = arith.constant 0 : index
    %get3A_346 = arith.constant 3328 : index
    %get3A_347 = vector.load %arg1[%get3A_345, %get3A_346] : memref<1x8192xf32, #tpu.memory_space<vmem>>, vector<1x128xf32>
    %add3A_348 = vector.broadcast %broadcast_in_dim3A : vector<512x1xf32> to vector<512x128xf32>
    %add3A_349 = vector.broadcast %get3A_347 : vector<1x128xf32> to vector<512x128xf32>
    %add3A_350 = arith.addf %add3A_348, %add3A_349 : vector<512x128xf32>
    %slice3A_351 = vector.extract_strided_slice %dot_general3A_214 {offsets = [0, 1280], sizes = [512, 128], strides = [1, 1]} : vector<512x2048xf32> to vector<512x128xf32>
    %add3A_352 = arith.addf %add3A_350, %slice3A_351 : vector<512x128xf32>
    %lt3A_353 = arith.cmpf olt, %add3A_352, %select_n3A_341 : vector<512x128xf32>
    %select_n3A_354 = arith.select %lt3A_353, %add3A_352, %select_n3A_341 : vector<512x128xi1>, vector<512x128xf32>
    %broadcast_in_dim3A_355 = arith.constant 26 : i32
    %broadcast_in_dim3A_356 = vector.broadcast %broadcast_in_dim3A_355 : i32 to vector<512x128xi32>
    %select_n3A_357 = arith.select %lt3A_353, %broadcast_in_dim3A_356, %select_n3A_344 : vector<512x128xi1>, vector<512x128xi32>
    %get3A_358 = arith.constant 0 : index
    %get3A_359 = arith.constant 3456 : index
    %get3A_360 = vector.load %arg1[%get3A_358, %get3A_359] : memref<1x8192xf32, #tpu.memory_space<vmem>>, vector<1x128xf32>
    %add3A_361 = vector.broadcast %broadcast_in_dim3A : vector<512x1xf32> to vector<512x128xf32>
    %add3A_362 = vector.broadcast %get3A_360 : vector<1x128xf32> to vector<512x128xf32>
    %add3A_363 = arith.addf %add3A_361, %add3A_362 : vector<512x128xf32>
    %slice3A_364 = vector.extract_strided_slice %dot_general3A_214 {offsets = [0, 1408], sizes = [512, 128], strides = [1, 1]} : vector<512x2048xf32> to vector<512x128xf32>
    %add3A_365 = arith.addf %add3A_363, %slice3A_364 : vector<512x128xf32>
    %lt3A_366 = arith.cmpf olt, %add3A_365, %select_n3A_354 : vector<512x128xf32>
    %select_n3A_367 = arith.select %lt3A_366, %add3A_365, %select_n3A_354 : vector<512x128xi1>, vector<512x128xf32>
    %broadcast_in_dim3A_368 = arith.constant 27 : i32
    %broadcast_in_dim3A_369 = vector.broadcast %broadcast_in_dim3A_368 : i32 to vector<512x128xi32>
    %select_n3A_370 = arith.select %lt3A_366, %broadcast_in_dim3A_369, %select_n3A_357 : vector<512x128xi1>, vector<512x128xi32>
    %get3A_371 = arith.constant 0 : index
    %get3A_372 = arith.constant 3584 : index
    %get3A_373 = vector.load %arg1[%get3A_371, %get3A_372] : memref<1x8192xf32, #tpu.memory_space<vmem>>, vector<1x128xf32>
    %add3A_374 = vector.broadcast %broadcast_in_dim3A : vector<512x1xf32> to vector<512x128xf32>
    %add3A_375 = vector.broadcast %get3A_373 : vector<1x128xf32> to vector<512x128xf32>
    %add3A_376 = arith.addf %add3A_374, %add3A_375 : vector<512x128xf32>
    %slice3A_377 = vector.extract_strided_slice %dot_general3A_214 {offsets = [0, 1536], sizes = [512, 128], strides = [1, 1]} : vector<512x2048xf32> to vector<512x128xf32>
    %add3A_378 = arith.addf %add3A_376, %slice3A_377 : vector<512x128xf32>
    %lt3A_379 = arith.cmpf olt, %add3A_378, %select_n3A_367 : vector<512x128xf32>
    %select_n3A_380 = arith.select %lt3A_379, %add3A_378, %select_n3A_367 : vector<512x128xi1>, vector<512x128xf32>
    %broadcast_in_dim3A_381 = arith.constant 28 : i32
    %broadcast_in_dim3A_382 = vector.broadcast %broadcast_in_dim3A_381 : i32 to vector<512x128xi32>
    %select_n3A_383 = arith.select %lt3A_379, %broadcast_in_dim3A_382, %select_n3A_370 : vector<512x128xi1>, vector<512x128xi32>
    %get3A_384 = arith.constant 0 : index
    %get3A_385 = arith.constant 3712 : index
    %get3A_386 = vector.load %arg1[%get3A_384, %get3A_385] : memref<1x8192xf32, #tpu.memory_space<vmem>>, vector<1x128xf32>
    %add3A_387 = vector.broadcast %broadcast_in_dim3A : vector<512x1xf32> to vector<512x128xf32>
    %add3A_388 = vector.broadcast %get3A_386 : vector<1x128xf32> to vector<512x128xf32>
    %add3A_389 = arith.addf %add3A_387, %add3A_388 : vector<512x128xf32>
    %slice3A_390 = vector.extract_strided_slice %dot_general3A_214 {offsets = [0, 1664], sizes = [512, 128], strides = [1, 1]} : vector<512x2048xf32> to vector<512x128xf32>
    %add3A_391 = arith.addf %add3A_389, %slice3A_390 : vector<512x128xf32>
    %lt3A_392 = arith.cmpf olt, %add3A_391, %select_n3A_380 : vector<512x128xf32>
    %select_n3A_393 = arith.select %lt3A_392, %add3A_391, %select_n3A_380 : vector<512x128xi1>, vector<512x128xf32>
    %broadcast_in_dim3A_394 = arith.constant 29 : i32
    %broadcast_in_dim3A_395 = vector.broadcast %broadcast_in_dim3A_394 : i32 to vector<512x128xi32>
    %select_n3A_396 = arith.select %lt3A_392, %broadcast_in_dim3A_395, %select_n3A_383 : vector<512x128xi1>, vector<512x128xi32>
    %get3A_397 = arith.constant 0 : index
    %get3A_398 = arith.constant 3840 : index
    %get3A_399 = vector.load %arg1[%get3A_397, %get3A_398] : memref<1x8192xf32, #tpu.memory_space<vmem>>, vector<1x128xf32>
    %add3A_400 = vector.broadcast %broadcast_in_dim3A : vector<512x1xf32> to vector<512x128xf32>
    %add3A_401 = vector.broadcast %get3A_399 : vector<1x128xf32> to vector<512x128xf32>
    %add3A_402 = arith.addf %add3A_400, %add3A_401 : vector<512x128xf32>
    %slice3A_403 = vector.extract_strided_slice %dot_general3A_214 {offsets = [0, 1792], sizes = [512, 128], strides = [1, 1]} : vector<512x2048xf32> to vector<512x128xf32>
    %add3A_404 = arith.addf %add3A_402, %slice3A_403 : vector<512x128xf32>
    %lt3A_405 = arith.cmpf olt, %add3A_404, %select_n3A_393 : vector<512x128xf32>
    %select_n3A_406 = arith.select %lt3A_405, %add3A_404, %select_n3A_393 : vector<512x128xi1>, vector<512x128xf32>
    %broadcast_in_dim3A_407 = arith.constant 30 : i32
    %broadcast_in_dim3A_408 = vector.broadcast %broadcast_in_dim3A_407 : i32 to vector<512x128xi32>
    %select_n3A_409 = arith.select %lt3A_405, %broadcast_in_dim3A_408, %select_n3A_396 : vector<512x128xi1>, vector<512x128xi32>
    %get3A_410 = arith.constant 0 : index
    %get3A_411 = arith.constant 3968 : index
    %get3A_412 = vector.load %arg1[%get3A_410, %get3A_411] : memref<1x8192xf32, #tpu.memory_space<vmem>>, vector<1x128xf32>
    %add3A_413 = vector.broadcast %broadcast_in_dim3A : vector<512x1xf32> to vector<512x128xf32>
    %add3A_414 = vector.broadcast %get3A_412 : vector<1x128xf32> to vector<512x128xf32>
    %add3A_415 = arith.addf %add3A_413, %add3A_414 : vector<512x128xf32>
    %slice3A_416 = vector.extract_strided_slice %dot_general3A_214 {offsets = [0, 1920], sizes = [512, 128], strides = [1, 1]} : vector<512x2048xf32> to vector<512x128xf32>
    %add3A_417 = arith.addf %add3A_415, %slice3A_416 : vector<512x128xf32>
    %lt3A_418 = arith.cmpf olt, %add3A_417, %select_n3A_406 : vector<512x128xf32>
    %select_n3A_419 = arith.select %lt3A_418, %add3A_417, %select_n3A_406 : vector<512x128xi1>, vector<512x128xf32>
    %broadcast_in_dim3A_420 = arith.constant 31 : i32
    %broadcast_in_dim3A_421 = vector.broadcast %broadcast_in_dim3A_420 : i32 to vector<512x128xi32>
    %select_n3A_422 = arith.select %lt3A_418, %broadcast_in_dim3A_421, %select_n3A_409 : vector<512x128xi1>, vector<512x128xi32>
    %get3A_423 = arith.constant 4096 : index
    %get3A_424 = arith.constant 0 : index
    %get3A_425 = vector.load %arg6[%get3A_423, %get3A_424] : memref<8192x256xf32, #tpu.memory_space<vmem>>, vector<2048x256xf32>
    %dot_general3A_426 = arith.constant dense<0.000000e+00> : vector<512x2048xf32>
    %dot_general3A_427 = tpu.matmul %get3A_3, %get3A_425, %dot_general3A_426 {dimension_numbers = #tpu.dot_dimension_numbers<[1], [1], [0], [0], [0, 0, 1, 0], [], []>, transpose_lhs_hint = false} : vector<512x256xf32>, vector<2048x256xf32>, vector<512x2048xf32> -> vector<512x2048xf32>
    %get3A_428 = arith.constant 0 : index
    %get3A_429 = arith.constant 4096 : index
    %get3A_430 = vector.load %arg1[%get3A_428, %get3A_429] : memref<1x8192xf32, #tpu.memory_space<vmem>>, vector<1x128xf32>
    %add3A_431 = vector.broadcast %broadcast_in_dim3A : vector<512x1xf32> to vector<512x128xf32>
    %add3A_432 = vector.broadcast %get3A_430 : vector<1x128xf32> to vector<512x128xf32>
    %add3A_433 = arith.addf %add3A_431, %add3A_432 : vector<512x128xf32>
    %slice3A_434 = vector.extract_strided_slice %dot_general3A_427 {offsets = [0, 0], sizes = [512, 128], strides = [1, 1]} : vector<512x2048xf32> to vector<512x128xf32>
    %add3A_435 = arith.addf %add3A_433, %slice3A_434 : vector<512x128xf32>
    %lt3A_436 = arith.cmpf olt, %add3A_435, %select_n3A_419 : vector<512x128xf32>
    %select_n3A_437 = arith.select %lt3A_436, %add3A_435, %select_n3A_419 : vector<512x128xi1>, vector<512x128xf32>
    %broadcast_in_dim3A_438 = arith.constant 32 : i32
    %broadcast_in_dim3A_439 = vector.broadcast %broadcast_in_dim3A_438 : i32 to vector<512x128xi32>
    %select_n3A_440 = arith.select %lt3A_436, %broadcast_in_dim3A_439, %select_n3A_422 : vector<512x128xi1>, vector<512x128xi32>
    %get3A_441 = arith.constant 0 : index
    %get3A_442 = arith.constant 4224 : index
    %get3A_443 = vector.load %arg1[%get3A_441, %get3A_442] : memref<1x8192xf32, #tpu.memory_space<vmem>>, vector<1x128xf32>
    %add3A_444 = vector.broadcast %broadcast_in_dim3A : vector<512x1xf32> to vector<512x128xf32>
    %add3A_445 = vector.broadcast %get3A_443 : vector<1x128xf32> to vector<512x128xf32>
    %add3A_446 = arith.addf %add3A_444, %add3A_445 : vector<512x128xf32>
    %slice3A_447 = vector.extract_strided_slice %dot_general3A_427 {offsets = [0, 128], sizes = [512, 128], strides = [1, 1]} : vector<512x2048xf32> to vector<512x128xf32>
    %add3A_448 = arith.addf %add3A_446, %slice3A_447 : vector<512x128xf32>
    %lt3A_449 = arith.cmpf olt, %add3A_448, %select_n3A_437 : vector<512x128xf32>
    %select_n3A_450 = arith.select %lt3A_449, %add3A_448, %select_n3A_437 : vector<512x128xi1>, vector<512x128xf32>
    %broadcast_in_dim3A_451 = arith.constant 33 : i32
    %broadcast_in_dim3A_452 = vector.broadcast %broadcast_in_dim3A_451 : i32 to vector<512x128xi32>
    %select_n3A_453 = arith.select %lt3A_449, %broadcast_in_dim3A_452, %select_n3A_440 : vector<512x128xi1>, vector<512x128xi32>
    %get3A_454 = arith.constant 0 : index
    %get3A_455 = arith.constant 4352 : index
    %get3A_456 = vector.load %arg1[%get3A_454, %get3A_455] : memref<1x8192xf32, #tpu.memory_space<vmem>>, vector<1x128xf32>
    %add3A_457 = vector.broadcast %broadcast_in_dim3A : vector<512x1xf32> to vector<512x128xf32>
    %add3A_458 = vector.broadcast %get3A_456 : vector<1x128xf32> to vector<512x128xf32>
    %add3A_459 = arith.addf %add3A_457, %add3A_458 : vector<512x128xf32>
    %slice3A_460 = vector.extract_strided_slice %dot_general3A_427 {offsets = [0, 256], sizes = [512, 128], strides = [1, 1]} : vector<512x2048xf32> to vector<512x128xf32>
    %add3A_461 = arith.addf %add3A_459, %slice3A_460 : vector<512x128xf32>
    %lt3A_462 = arith.cmpf olt, %add3A_461, %select_n3A_450 : vector<512x128xf32>
    %select_n3A_463 = arith.select %lt3A_462, %add3A_461, %select_n3A_450 : vector<512x128xi1>, vector<512x128xf32>
    %broadcast_in_dim3A_464 = arith.constant 34 : i32
    %broadcast_in_dim3A_465 = vector.broadcast %broadcast_in_dim3A_464 : i32 to vector<512x128xi32>
    %select_n3A_466 = arith.select %lt3A_462, %broadcast_in_dim3A_465, %select_n3A_453 : vector<512x128xi1>, vector<512x128xi32>
    %get3A_467 = arith.constant 0 : index
    %get3A_468 = arith.constant 4480 : index
    %get3A_469 = vector.load %arg1[%get3A_467, %get3A_468] : memref<1x8192xf32, #tpu.memory_space<vmem>>, vector<1x128xf32>
    %add3A_470 = vector.broadcast %broadcast_in_dim3A : vector<512x1xf32> to vector<512x128xf32>
    %add3A_471 = vector.broadcast %get3A_469 : vector<1x128xf32> to vector<512x128xf32>
    %add3A_472 = arith.addf %add3A_470, %add3A_471 : vector<512x128xf32>
    %slice3A_473 = vector.extract_strided_slice %dot_general3A_427 {offsets = [0, 384], sizes = [512, 128], strides = [1, 1]} : vector<512x2048xf32> to vector<512x128xf32>
    %add3A_474 = arith.addf %add3A_472, %slice3A_473 : vector<512x128xf32>
    %lt3A_475 = arith.cmpf olt, %add3A_474, %select_n3A_463 : vector<512x128xf32>
    %select_n3A_476 = arith.select %lt3A_475, %add3A_474, %select_n3A_463 : vector<512x128xi1>, vector<512x128xf32>
    %broadcast_in_dim3A_477 = arith.constant 35 : i32
    %broadcast_in_dim3A_478 = vector.broadcast %broadcast_in_dim3A_477 : i32 to vector<512x128xi32>
    %select_n3A_479 = arith.select %lt3A_475, %broadcast_in_dim3A_478, %select_n3A_466 : vector<512x128xi1>, vector<512x128xi32>
    %get3A_480 = arith.constant 0 : index
    %get3A_481 = arith.constant 4608 : index
    %get3A_482 = vector.load %arg1[%get3A_480, %get3A_481] : memref<1x8192xf32, #tpu.memory_space<vmem>>, vector<1x128xf32>
    %add3A_483 = vector.broadcast %broadcast_in_dim3A : vector<512x1xf32> to vector<512x128xf32>
    %add3A_484 = vector.broadcast %get3A_482 : vector<1x128xf32> to vector<512x128xf32>
    %add3A_485 = arith.addf %add3A_483, %add3A_484 : vector<512x128xf32>
    %slice3A_486 = vector.extract_strided_slice %dot_general3A_427 {offsets = [0, 512], sizes = [512, 128], strides = [1, 1]} : vector<512x2048xf32> to vector<512x128xf32>
    %add3A_487 = arith.addf %add3A_485, %slice3A_486 : vector<512x128xf32>
    %lt3A_488 = arith.cmpf olt, %add3A_487, %select_n3A_476 : vector<512x128xf32>
    %select_n3A_489 = arith.select %lt3A_488, %add3A_487, %select_n3A_476 : vector<512x128xi1>, vector<512x128xf32>
    %broadcast_in_dim3A_490 = arith.constant 36 : i32
    %broadcast_in_dim3A_491 = vector.broadcast %broadcast_in_dim3A_490 : i32 to vector<512x128xi32>
    %select_n3A_492 = arith.select %lt3A_488, %broadcast_in_dim3A_491, %select_n3A_479 : vector<512x128xi1>, vector<512x128xi32>
    %get3A_493 = arith.constant 0 : index
    %get3A_494 = arith.constant 4736 : index
    %get3A_495 = vector.load %arg1[%get3A_493, %get3A_494] : memref<1x8192xf32, #tpu.memory_space<vmem>>, vector<1x128xf32>
    %add3A_496 = vector.broadcast %broadcast_in_dim3A : vector<512x1xf32> to vector<512x128xf32>
    %add3A_497 = vector.broadcast %get3A_495 : vector<1x128xf32> to vector<512x128xf32>
    %add3A_498 = arith.addf %add3A_496, %add3A_497 : vector<512x128xf32>
    %slice3A_499 = vector.extract_strided_slice %dot_general3A_427 {offsets = [0, 640], sizes = [512, 128], strides = [1, 1]} : vector<512x2048xf32> to vector<512x128xf32>
    %add3A_500 = arith.addf %add3A_498, %slice3A_499 : vector<512x128xf32>
    %lt3A_501 = arith.cmpf olt, %add3A_500, %select_n3A_489 : vector<512x128xf32>
    %select_n3A_502 = arith.select %lt3A_501, %add3A_500, %select_n3A_489 : vector<512x128xi1>, vector<512x128xf32>
    %broadcast_in_dim3A_503 = arith.constant 37 : i32
    %broadcast_in_dim3A_504 = vector.broadcast %broadcast_in_dim3A_503 : i32 to vector<512x128xi32>
    %select_n3A_505 = arith.select %lt3A_501, %broadcast_in_dim3A_504, %select_n3A_492 : vector<512x128xi1>, vector<512x128xi32>
    %get3A_506 = arith.constant 0 : index
    %get3A_507 = arith.constant 4864 : index
    %get3A_508 = vector.load %arg1[%get3A_506, %get3A_507] : memref<1x8192xf32, #tpu.memory_space<vmem>>, vector<1x128xf32>
    %add3A_509 = vector.broadcast %broadcast_in_dim3A : vector<512x1xf32> to vector<512x128xf32>
    %add3A_510 = vector.broadcast %get3A_508 : vector<1x128xf32> to vector<512x128xf32>
    %add3A_511 = arith.addf %add3A_509, %add3A_510 : vector<512x128xf32>
    %slice3A_512 = vector.extract_strided_slice %dot_general3A_427 {offsets = [0, 768], sizes = [512, 128], strides = [1, 1]} : vector<512x2048xf32> to vector<512x128xf32>
    %add3A_513 = arith.addf %add3A_511, %slice3A_512 : vector<512x128xf32>
    %lt3A_514 = arith.cmpf olt, %add3A_513, %select_n3A_502 : vector<512x128xf32>
    %select_n3A_515 = arith.select %lt3A_514, %add3A_513, %select_n3A_502 : vector<512x128xi1>, vector<512x128xf32>
    %broadcast_in_dim3A_516 = arith.constant 38 : i32
    %broadcast_in_dim3A_517 = vector.broadcast %broadcast_in_dim3A_516 : i32 to vector<512x128xi32>
    %select_n3A_518 = arith.select %lt3A_514, %broadcast_in_dim3A_517, %select_n3A_505 : vector<512x128xi1>, vector<512x128xi32>
    %get3A_519 = arith.constant 0 : index
    %get3A_520 = arith.constant 4992 : index
    %get3A_521 = vector.load %arg1[%get3A_519, %get3A_520] : memref<1x8192xf32, #tpu.memory_space<vmem>>, vector<1x128xf32>
    %add3A_522 = vector.broadcast %broadcast_in_dim3A : vector<512x1xf32> to vector<512x128xf32>
    %add3A_523 = vector.broadcast %get3A_521 : vector<1x128xf32> to vector<512x128xf32>
    %add3A_524 = arith.addf %add3A_522, %add3A_523 : vector<512x128xf32>
    %slice3A_525 = vector.extract_strided_slice %dot_general3A_427 {offsets = [0, 896], sizes = [512, 128], strides = [1, 1]} : vector<512x2048xf32> to vector<512x128xf32>
    %add3A_526 = arith.addf %add3A_524, %slice3A_525 : vector<512x128xf32>
    %lt3A_527 = arith.cmpf olt, %add3A_526, %select_n3A_515 : vector<512x128xf32>
    %select_n3A_528 = arith.select %lt3A_527, %add3A_526, %select_n3A_515 : vector<512x128xi1>, vector<512x128xf32>
    %broadcast_in_dim3A_529 = arith.constant 39 : i32
    %broadcast_in_dim3A_530 = vector.broadcast %broadcast_in_dim3A_529 : i32 to vector<512x128xi32>
    %select_n3A_531 = arith.select %lt3A_527, %broadcast_in_dim3A_530, %select_n3A_518 : vector<512x128xi1>, vector<512x128xi32>
    %get3A_532 = arith.constant 0 : index
    %get3A_533 = arith.constant 5120 : index
    %get3A_534 = vector.load %arg1[%get3A_532, %get3A_533] : memref<1x8192xf32, #tpu.memory_space<vmem>>, vector<1x128xf32>
    %add3A_535 = vector.broadcast %broadcast_in_dim3A : vector<512x1xf32> to vector<512x128xf32>
    %add3A_536 = vector.broadcast %get3A_534 : vector<1x128xf32> to vector<512x128xf32>
    %add3A_537 = arith.addf %add3A_535, %add3A_536 : vector<512x128xf32>
    %slice3A_538 = vector.extract_strided_slice %dot_general3A_427 {offsets = [0, 1024], sizes = [512, 128], strides = [1, 1]} : vector<512x2048xf32> to vector<512x128xf32>
    %add3A_539 = arith.addf %add3A_537, %slice3A_538 : vector<512x128xf32>
    %lt3A_540 = arith.cmpf olt, %add3A_539, %select_n3A_528 : vector<512x128xf32>
    %select_n3A_541 = arith.select %lt3A_540, %add3A_539, %select_n3A_528 : vector<512x128xi1>, vector<512x128xf32>
    %broadcast_in_dim3A_542 = arith.constant 40 : i32
    %broadcast_in_dim3A_543 = vector.broadcast %broadcast_in_dim3A_542 : i32 to vector<512x128xi32>
    %select_n3A_544 = arith.select %lt3A_540, %broadcast_in_dim3A_543, %select_n3A_531 : vector<512x128xi1>, vector<512x128xi32>
    %get3A_545 = arith.constant 0 : index
    %get3A_546 = arith.constant 5248 : index
    %get3A_547 = vector.load %arg1[%get3A_545, %get3A_546] : memref<1x8192xf32, #tpu.memory_space<vmem>>, vector<1x128xf32>
    %add3A_548 = vector.broadcast %broadcast_in_dim3A : vector<512x1xf32> to vector<512x128xf32>
    %add3A_549 = vector.broadcast %get3A_547 : vector<1x128xf32> to vector<512x128xf32>
    %add3A_550 = arith.addf %add3A_548, %add3A_549 : vector<512x128xf32>
    %slice3A_551 = vector.extract_strided_slice %dot_general3A_427 {offsets = [0, 1152], sizes = [512, 128], strides = [1, 1]} : vector<512x2048xf32> to vector<512x128xf32>
    %add3A_552 = arith.addf %add3A_550, %slice3A_551 : vector<512x128xf32>
    %lt3A_553 = arith.cmpf olt, %add3A_552, %select_n3A_541 : vector<512x128xf32>
    %select_n3A_554 = arith.select %lt3A_553, %add3A_552, %select_n3A_541 : vector<512x128xi1>, vector<512x128xf32>
    %broadcast_in_dim3A_555 = arith.constant 41 : i32
    %broadcast_in_dim3A_556 = vector.broadcast %broadcast_in_dim3A_555 : i32 to vector<512x128xi32>
    %select_n3A_557 = arith.select %lt3A_553, %broadcast_in_dim3A_556, %select_n3A_544 : vector<512x128xi1>, vector<512x128xi32>
    %get3A_558 = arith.constant 0 : index
    %get3A_559 = arith.constant 5376 : index
    %get3A_560 = vector.load %arg1[%get3A_558, %get3A_559] : memref<1x8192xf32, #tpu.memory_space<vmem>>, vector<1x128xf32>
    %add3A_561 = vector.broadcast %broadcast_in_dim3A : vector<512x1xf32> to vector<512x128xf32>
    %add3A_562 = vector.broadcast %get3A_560 : vector<1x128xf32> to vector<512x128xf32>
    %add3A_563 = arith.addf %add3A_561, %add3A_562 : vector<512x128xf32>
    %slice3A_564 = vector.extract_strided_slice %dot_general3A_427 {offsets = [0, 1280], sizes = [512, 128], strides = [1, 1]} : vector<512x2048xf32> to vector<512x128xf32>
    %add3A_565 = arith.addf %add3A_563, %slice3A_564 : vector<512x128xf32>
    %lt3A_566 = arith.cmpf olt, %add3A_565, %select_n3A_554 : vector<512x128xf32>
    %select_n3A_567 = arith.select %lt3A_566, %add3A_565, %select_n3A_554 : vector<512x128xi1>, vector<512x128xf32>
    %broadcast_in_dim3A_568 = arith.constant 42 : i32
    %broadcast_in_dim3A_569 = vector.broadcast %broadcast_in_dim3A_568 : i32 to vector<512x128xi32>
    %select_n3A_570 = arith.select %lt3A_566, %broadcast_in_dim3A_569, %select_n3A_557 : vector<512x128xi1>, vector<512x128xi32>
    %get3A_571 = arith.constant 0 : index
    %get3A_572 = arith.constant 5504 : index
    %get3A_573 = vector.load %arg1[%get3A_571, %get3A_572] : memref<1x8192xf32, #tpu.memory_space<vmem>>, vector<1x128xf32>
    %add3A_574 = vector.broadcast %broadcast_in_dim3A : vector<512x1xf32> to vector<512x128xf32>
    %add3A_575 = vector.broadcast %get3A_573 : vector<1x128xf32> to vector<512x128xf32>
    %add3A_576 = arith.addf %add3A_574, %add3A_575 : vector<512x128xf32>
    %slice3A_577 = vector.extract_strided_slice %dot_general3A_427 {offsets = [0, 1408], sizes = [512, 128], strides = [1, 1]} : vector<512x2048xf32> to vector<512x128xf32>
    %add3A_578 = arith.addf %add3A_576, %slice3A_577 : vector<512x128xf32>
    %lt3A_579 = arith.cmpf olt, %add3A_578, %select_n3A_567 : vector<512x128xf32>
    %select_n3A_580 = arith.select %lt3A_579, %add3A_578, %select_n3A_567 : vector<512x128xi1>, vector<512x128xf32>
    %broadcast_in_dim3A_581 = arith.constant 43 : i32
    %broadcast_in_dim3A_582 = vector.broadcast %broadcast_in_dim3A_581 : i32 to vector<512x128xi32>
    %select_n3A_583 = arith.select %lt3A_579, %broadcast_in_dim3A_582, %select_n3A_570 : vector<512x128xi1>, vector<512x128xi32>
    %get3A_584 = arith.constant 0 : index
    %get3A_585 = arith.constant 5632 : index
    %get3A_586 = vector.load %arg1[%get3A_584, %get3A_585] : memref<1x8192xf32, #tpu.memory_space<vmem>>, vector<1x128xf32>
    %add3A_587 = vector.broadcast %broadcast_in_dim3A : vector<512x1xf32> to vector<512x128xf32>
    %add3A_588 = vector.broadcast %get3A_586 : vector<1x128xf32> to vector<512x128xf32>
    %add3A_589 = arith.addf %add3A_587, %add3A_588 : vector<512x128xf32>
    %slice3A_590 = vector.extract_strided_slice %dot_general3A_427 {offsets = [0, 1536], sizes = [512, 128], strides = [1, 1]} : vector<512x2048xf32> to vector<512x128xf32>
    %add3A_591 = arith.addf %add3A_589, %slice3A_590 : vector<512x128xf32>
    %lt3A_592 = arith.cmpf olt, %add3A_591, %select_n3A_580 : vector<512x128xf32>
    %select_n3A_593 = arith.select %lt3A_592, %add3A_591, %select_n3A_580 : vector<512x128xi1>, vector<512x128xf32>
    %broadcast_in_dim3A_594 = arith.constant 44 : i32
    %broadcast_in_dim3A_595 = vector.broadcast %broadcast_in_dim3A_594 : i32 to vector<512x128xi32>
    %select_n3A_596 = arith.select %lt3A_592, %broadcast_in_dim3A_595, %select_n3A_583 : vector<512x128xi1>, vector<512x128xi32>
    %get3A_597 = arith.constant 0 : index
    %get3A_598 = arith.constant 5760 : index
    %get3A_599 = vector.load %arg1[%get3A_597, %get3A_598] : memref<1x8192xf32, #tpu.memory_space<vmem>>, vector<1x128xf32>
    %add3A_600 = vector.broadcast %broadcast_in_dim3A : vector<512x1xf32> to vector<512x128xf32>
    %add3A_601 = vector.broadcast %get3A_599 : vector<1x128xf32> to vector<512x128xf32>
    %add3A_602 = arith.addf %add3A_600, %add3A_601 : vector<512x128xf32>
    %slice3A_603 = vector.extract_strided_slice %dot_general3A_427 {offsets = [0, 1664], sizes = [512, 128], strides = [1, 1]} : vector<512x2048xf32> to vector<512x128xf32>
    %add3A_604 = arith.addf %add3A_602, %slice3A_603 : vector<512x128xf32>
    %lt3A_605 = arith.cmpf olt, %add3A_604, %select_n3A_593 : vector<512x128xf32>
    %select_n3A_606 = arith.select %lt3A_605, %add3A_604, %select_n3A_593 : vector<512x128xi1>, vector<512x128xf32>
    %broadcast_in_dim3A_607 = arith.constant 45 : i32
    %broadcast_in_dim3A_608 = vector.broadcast %broadcast_in_dim3A_607 : i32 to vector<512x128xi32>
    %select_n3A_609 = arith.select %lt3A_605, %broadcast_in_dim3A_608, %select_n3A_596 : vector<512x128xi1>, vector<512x128xi32>
    %get3A_610 = arith.constant 0 : index
    %get3A_611 = arith.constant 5888 : index
    %get3A_612 = vector.load %arg1[%get3A_610, %get3A_611] : memref<1x8192xf32, #tpu.memory_space<vmem>>, vector<1x128xf32>
    %add3A_613 = vector.broadcast %broadcast_in_dim3A : vector<512x1xf32> to vector<512x128xf32>
    %add3A_614 = vector.broadcast %get3A_612 : vector<1x128xf32> to vector<512x128xf32>
    %add3A_615 = arith.addf %add3A_613, %add3A_614 : vector<512x128xf32>
    %slice3A_616 = vector.extract_strided_slice %dot_general3A_427 {offsets = [0, 1792], sizes = [512, 128], strides = [1, 1]} : vector<512x2048xf32> to vector<512x128xf32>
    %add3A_617 = arith.addf %add3A_615, %slice3A_616 : vector<512x128xf32>
    %lt3A_618 = arith.cmpf olt, %add3A_617, %select_n3A_606 : vector<512x128xf32>
    %select_n3A_619 = arith.select %lt3A_618, %add3A_617, %select_n3A_606 : vector<512x128xi1>, vector<512x128xf32>
    %broadcast_in_dim3A_620 = arith.constant 46 : i32
    %broadcast_in_dim3A_621 = vector.broadcast %broadcast_in_dim3A_620 : i32 to vector<512x128xi32>
    %select_n3A_622 = arith.select %lt3A_618, %broadcast_in_dim3A_621, %select_n3A_609 : vector<512x128xi1>, vector<512x128xi32>
    %get3A_623 = arith.constant 0 : index
    %get3A_624 = arith.constant 6016 : index
    %get3A_625 = vector.load %arg1[%get3A_623, %get3A_624] : memref<1x8192xf32, #tpu.memory_space<vmem>>, vector<1x128xf32>
    %add3A_626 = vector.broadcast %broadcast_in_dim3A : vector<512x1xf32> to vector<512x128xf32>
    %add3A_627 = vector.broadcast %get3A_625 : vector<1x128xf32> to vector<512x128xf32>
    %add3A_628 = arith.addf %add3A_626, %add3A_627 : vector<512x128xf32>
    %slice3A_629 = vector.extract_strided_slice %dot_general3A_427 {offsets = [0, 1920], sizes = [512, 128], strides = [1, 1]} : vector<512x2048xf32> to vector<512x128xf32>
    %add3A_630 = arith.addf %add3A_628, %slice3A_629 : vector<512x128xf32>
    %lt3A_631 = arith.cmpf olt, %add3A_630, %select_n3A_619 : vector<512x128xf32>
    %select_n3A_632 = arith.select %lt3A_631, %add3A_630, %select_n3A_619 : vector<512x128xi1>, vector<512x128xf32>
    %broadcast_in_dim3A_633 = arith.constant 47 : i32
    %broadcast_in_dim3A_634 = vector.broadcast %broadcast_in_dim3A_633 : i32 to vector<512x128xi32>
    %select_n3A_635 = arith.select %lt3A_631, %broadcast_in_dim3A_634, %select_n3A_622 : vector<512x128xi1>, vector<512x128xi32>
    %get3A_636 = arith.constant 6144 : index
    %get3A_637 = arith.constant 0 : index
    %get3A_638 = vector.load %arg6[%get3A_636, %get3A_637] : memref<8192x256xf32, #tpu.memory_space<vmem>>, vector<2048x256xf32>
    %dot_general3A_639 = arith.constant dense<0.000000e+00> : vector<512x2048xf32>
    %dot_general3A_640 = tpu.matmul %get3A_3, %get3A_638, %dot_general3A_639 {dimension_numbers = #tpu.dot_dimension_numbers<[1], [1], [0], [0], [0, 0, 1, 0], [], []>, transpose_lhs_hint = false} : vector<512x256xf32>, vector<2048x256xf32>, vector<512x2048xf32> -> vector<512x2048xf32>
    %get3A_641 = arith.constant 0 : index
    %get3A_642 = arith.constant 6144 : index
    %get3A_643 = vector.load %arg1[%get3A_641, %get3A_642] : memref<1x8192xf32, #tpu.memory_space<vmem>>, vector<1x128xf32>
    %add3A_644 = vector.broadcast %broadcast_in_dim3A : vector<512x1xf32> to vector<512x128xf32>
    %add3A_645 = vector.broadcast %get3A_643 : vector<1x128xf32> to vector<512x128xf32>
    %add3A_646 = arith.addf %add3A_644, %add3A_645 : vector<512x128xf32>
    %slice3A_647 = vector.extract_strided_slice %dot_general3A_640 {offsets = [0, 0], sizes = [512, 128], strides = [1, 1]} : vector<512x2048xf32> to vector<512x128xf32>
    %add3A_648 = arith.addf %add3A_646, %slice3A_647 : vector<512x128xf32>
    %lt3A_649 = arith.cmpf olt, %add3A_648, %select_n3A_632 : vector<512x128xf32>
    %select_n3A_650 = arith.select %lt3A_649, %add3A_648, %select_n3A_632 : vector<512x128xi1>, vector<512x128xf32>
    %broadcast_in_dim3A_651 = arith.constant 48 : i32
    %broadcast_in_dim3A_652 = vector.broadcast %broadcast_in_dim3A_651 : i32 to vector<512x128xi32>
    %select_n3A_653 = arith.select %lt3A_649, %broadcast_in_dim3A_652, %select_n3A_635 : vector<512x128xi1>, vector<512x128xi32>
    %get3A_654 = arith.constant 0 : index
    %get3A_655 = arith.constant 6272 : index
    %get3A_656 = vector.load %arg1[%get3A_654, %get3A_655] : memref<1x8192xf32, #tpu.memory_space<vmem>>, vector<1x128xf32>
    %add3A_657 = vector.broadcast %broadcast_in_dim3A : vector<512x1xf32> to vector<512x128xf32>
    %add3A_658 = vector.broadcast %get3A_656 : vector<1x128xf32> to vector<512x128xf32>
    %add3A_659 = arith.addf %add3A_657, %add3A_658 : vector<512x128xf32>
    %slice3A_660 = vector.extract_strided_slice %dot_general3A_640 {offsets = [0, 128], sizes = [512, 128], strides = [1, 1]} : vector<512x2048xf32> to vector<512x128xf32>
    %add3A_661 = arith.addf %add3A_659, %slice3A_660 : vector<512x128xf32>
    %lt3A_662 = arith.cmpf olt, %add3A_661, %select_n3A_650 : vector<512x128xf32>
    %select_n3A_663 = arith.select %lt3A_662, %add3A_661, %select_n3A_650 : vector<512x128xi1>, vector<512x128xf32>
    %broadcast_in_dim3A_664 = arith.constant 49 : i32
    %broadcast_in_dim3A_665 = vector.broadcast %broadcast_in_dim3A_664 : i32 to vector<512x128xi32>
    %select_n3A_666 = arith.select %lt3A_662, %broadcast_in_dim3A_665, %select_n3A_653 : vector<512x128xi1>, vector<512x128xi32>
    %get3A_667 = arith.constant 0 : index
    %get3A_668 = arith.constant 6400 : index
    %get3A_669 = vector.load %arg1[%get3A_667, %get3A_668] : memref<1x8192xf32, #tpu.memory_space<vmem>>, vector<1x128xf32>
    %add3A_670 = vector.broadcast %broadcast_in_dim3A : vector<512x1xf32> to vector<512x128xf32>
    %add3A_671 = vector.broadcast %get3A_669 : vector<1x128xf32> to vector<512x128xf32>
    %add3A_672 = arith.addf %add3A_670, %add3A_671 : vector<512x128xf32>
    %slice3A_673 = vector.extract_strided_slice %dot_general3A_640 {offsets = [0, 256], sizes = [512, 128], strides = [1, 1]} : vector<512x2048xf32> to vector<512x128xf32>
    %add3A_674 = arith.addf %add3A_672, %slice3A_673 : vector<512x128xf32>
    %lt3A_675 = arith.cmpf olt, %add3A_674, %select_n3A_663 : vector<512x128xf32>
    %select_n3A_676 = arith.select %lt3A_675, %add3A_674, %select_n3A_663 : vector<512x128xi1>, vector<512x128xf32>
    %broadcast_in_dim3A_677 = arith.constant 50 : i32
    %broadcast_in_dim3A_678 = vector.broadcast %broadcast_in_dim3A_677 : i32 to vector<512x128xi32>
    %select_n3A_679 = arith.select %lt3A_675, %broadcast_in_dim3A_678, %select_n3A_666 : vector<512x128xi1>, vector<512x128xi32>
    %get3A_680 = arith.constant 0 : index
    %get3A_681 = arith.constant 6528 : index
    %get3A_682 = vector.load %arg1[%get3A_680, %get3A_681] : memref<1x8192xf32, #tpu.memory_space<vmem>>, vector<1x128xf32>
    %add3A_683 = vector.broadcast %broadcast_in_dim3A : vector<512x1xf32> to vector<512x128xf32>
    %add3A_684 = vector.broadcast %get3A_682 : vector<1x128xf32> to vector<512x128xf32>
    %add3A_685 = arith.addf %add3A_683, %add3A_684 : vector<512x128xf32>
    %slice3A_686 = vector.extract_strided_slice %dot_general3A_640 {offsets = [0, 384], sizes = [512, 128], strides = [1, 1]} : vector<512x2048xf32> to vector<512x128xf32>
    %add3A_687 = arith.addf %add3A_685, %slice3A_686 : vector<512x128xf32>
    %lt3A_688 = arith.cmpf olt, %add3A_687, %select_n3A_676 : vector<512x128xf32>
    %select_n3A_689 = arith.select %lt3A_688, %add3A_687, %select_n3A_676 : vector<512x128xi1>, vector<512x128xf32>
    %broadcast_in_dim3A_690 = arith.constant 51 : i32
    %broadcast_in_dim3A_691 = vector.broadcast %broadcast_in_dim3A_690 : i32 to vector<512x128xi32>
    %select_n3A_692 = arith.select %lt3A_688, %broadcast_in_dim3A_691, %select_n3A_679 : vector<512x128xi1>, vector<512x128xi32>
    %get3A_693 = arith.constant 0 : index
    %get3A_694 = arith.constant 6656 : index
    %get3A_695 = vector.load %arg1[%get3A_693, %get3A_694] : memref<1x8192xf32, #tpu.memory_space<vmem>>, vector<1x128xf32>
    %add3A_696 = vector.broadcast %broadcast_in_dim3A : vector<512x1xf32> to vector<512x128xf32>
    %add3A_697 = vector.broadcast %get3A_695 : vector<1x128xf32> to vector<512x128xf32>
    %add3A_698 = arith.addf %add3A_696, %add3A_697 : vector<512x128xf32>
    %slice3A_699 = vector.extract_strided_slice %dot_general3A_640 {offsets = [0, 512], sizes = [512, 128], strides = [1, 1]} : vector<512x2048xf32> to vector<512x128xf32>
    %add3A_700 = arith.addf %add3A_698, %slice3A_699 : vector<512x128xf32>
    %lt3A_701 = arith.cmpf olt, %add3A_700, %select_n3A_689 : vector<512x128xf32>
    %select_n3A_702 = arith.select %lt3A_701, %add3A_700, %select_n3A_689 : vector<512x128xi1>, vector<512x128xf32>
    %broadcast_in_dim3A_703 = arith.constant 52 : i32
    %broadcast_in_dim3A_704 = vector.broadcast %broadcast_in_dim3A_703 : i32 to vector<512x128xi32>
    %select_n3A_705 = arith.select %lt3A_701, %broadcast_in_dim3A_704, %select_n3A_692 : vector<512x128xi1>, vector<512x128xi32>
    %get3A_706 = arith.constant 0 : index
    %get3A_707 = arith.constant 6784 : index
    %get3A_708 = vector.load %arg1[%get3A_706, %get3A_707] : memref<1x8192xf32, #tpu.memory_space<vmem>>, vector<1x128xf32>
    %add3A_709 = vector.broadcast %broadcast_in_dim3A : vector<512x1xf32> to vector<512x128xf32>
    %add3A_710 = vector.broadcast %get3A_708 : vector<1x128xf32> to vector<512x128xf32>
    %add3A_711 = arith.addf %add3A_709, %add3A_710 : vector<512x128xf32>
    %slice3A_712 = vector.extract_strided_slice %dot_general3A_640 {offsets = [0, 640], sizes = [512, 128], strides = [1, 1]} : vector<512x2048xf32> to vector<512x128xf32>
    %add3A_713 = arith.addf %add3A_711, %slice3A_712 : vector<512x128xf32>
    %lt3A_714 = arith.cmpf olt, %add3A_713, %select_n3A_702 : vector<512x128xf32>
    %select_n3A_715 = arith.select %lt3A_714, %add3A_713, %select_n3A_702 : vector<512x128xi1>, vector<512x128xf32>
    %broadcast_in_dim3A_716 = arith.constant 53 : i32
    %broadcast_in_dim3A_717 = vector.broadcast %broadcast_in_dim3A_716 : i32 to vector<512x128xi32>
    %select_n3A_718 = arith.select %lt3A_714, %broadcast_in_dim3A_717, %select_n3A_705 : vector<512x128xi1>, vector<512x128xi32>
    %get3A_719 = arith.constant 0 : index
    %get3A_720 = arith.constant 6912 : index
    %get3A_721 = vector.load %arg1[%get3A_719, %get3A_720] : memref<1x8192xf32, #tpu.memory_space<vmem>>, vector<1x128xf32>
    %add3A_722 = vector.broadcast %broadcast_in_dim3A : vector<512x1xf32> to vector<512x128xf32>
    %add3A_723 = vector.broadcast %get3A_721 : vector<1x128xf32> to vector<512x128xf32>
    %add3A_724 = arith.addf %add3A_722, %add3A_723 : vector<512x128xf32>
    %slice3A_725 = vector.extract_strided_slice %dot_general3A_640 {offsets = [0, 768], sizes = [512, 128], strides = [1, 1]} : vector<512x2048xf32> to vector<512x128xf32>
    %add3A_726 = arith.addf %add3A_724, %slice3A_725 : vector<512x128xf32>
    %lt3A_727 = arith.cmpf olt, %add3A_726, %select_n3A_715 : vector<512x128xf32>
    %select_n3A_728 = arith.select %lt3A_727, %add3A_726, %select_n3A_715 : vector<512x128xi1>, vector<512x128xf32>
    %broadcast_in_dim3A_729 = arith.constant 54 : i32
    %broadcast_in_dim3A_730 = vector.broadcast %broadcast_in_dim3A_729 : i32 to vector<512x128xi32>
    %select_n3A_731 = arith.select %lt3A_727, %broadcast_in_dim3A_730, %select_n3A_718 : vector<512x128xi1>, vector<512x128xi32>
    %get3A_732 = arith.constant 0 : index
    %get3A_733 = arith.constant 7040 : index
    %get3A_734 = vector.load %arg1[%get3A_732, %get3A_733] : memref<1x8192xf32, #tpu.memory_space<vmem>>, vector<1x128xf32>
    %add3A_735 = vector.broadcast %broadcast_in_dim3A : vector<512x1xf32> to vector<512x128xf32>
    %add3A_736 = vector.broadcast %get3A_734 : vector<1x128xf32> to vector<512x128xf32>
    %add3A_737 = arith.addf %add3A_735, %add3A_736 : vector<512x128xf32>
    %slice3A_738 = vector.extract_strided_slice %dot_general3A_640 {offsets = [0, 896], sizes = [512, 128], strides = [1, 1]} : vector<512x2048xf32> to vector<512x128xf32>
    %add3A_739 = arith.addf %add3A_737, %slice3A_738 : vector<512x128xf32>
    %lt3A_740 = arith.cmpf olt, %add3A_739, %select_n3A_728 : vector<512x128xf32>
    %select_n3A_741 = arith.select %lt3A_740, %add3A_739, %select_n3A_728 : vector<512x128xi1>, vector<512x128xf32>
    %broadcast_in_dim3A_742 = arith.constant 55 : i32
    %broadcast_in_dim3A_743 = vector.broadcast %broadcast_in_dim3A_742 : i32 to vector<512x128xi32>
    %select_n3A_744 = arith.select %lt3A_740, %broadcast_in_dim3A_743, %select_n3A_731 : vector<512x128xi1>, vector<512x128xi32>
    %get3A_745 = arith.constant 0 : index
    %get3A_746 = arith.constant 7168 : index
    %get3A_747 = vector.load %arg1[%get3A_745, %get3A_746] : memref<1x8192xf32, #tpu.memory_space<vmem>>, vector<1x128xf32>
    %add3A_748 = vector.broadcast %broadcast_in_dim3A : vector<512x1xf32> to vector<512x128xf32>
    %add3A_749 = vector.broadcast %get3A_747 : vector<1x128xf32> to vector<512x128xf32>
    %add3A_750 = arith.addf %add3A_748, %add3A_749 : vector<512x128xf32>
    %slice3A_751 = vector.extract_strided_slice %dot_general3A_640 {offsets = [0, 1024], sizes = [512, 128], strides = [1, 1]} : vector<512x2048xf32> to vector<512x128xf32>
    %add3A_752 = arith.addf %add3A_750, %slice3A_751 : vector<512x128xf32>
    %lt3A_753 = arith.cmpf olt, %add3A_752, %select_n3A_741 : vector<512x128xf32>
    %select_n3A_754 = arith.select %lt3A_753, %add3A_752, %select_n3A_741 : vector<512x128xi1>, vector<512x128xf32>
    %broadcast_in_dim3A_755 = arith.constant 56 : i32
    %broadcast_in_dim3A_756 = vector.broadcast %broadcast_in_dim3A_755 : i32 to vector<512x128xi32>
    %select_n3A_757 = arith.select %lt3A_753, %broadcast_in_dim3A_756, %select_n3A_744 : vector<512x128xi1>, vector<512x128xi32>
    %get3A_758 = arith.constant 0 : index
    %get3A_759 = arith.constant 7296 : index
    %get3A_760 = vector.load %arg1[%get3A_758, %get3A_759] : memref<1x8192xf32, #tpu.memory_space<vmem>>, vector<1x128xf32>
    %add3A_761 = vector.broadcast %broadcast_in_dim3A : vector<512x1xf32> to vector<512x128xf32>
    %add3A_762 = vector.broadcast %get3A_760 : vector<1x128xf32> to vector<512x128xf32>
    %add3A_763 = arith.addf %add3A_761, %add3A_762 : vector<512x128xf32>
    %slice3A_764 = vector.extract_strided_slice %dot_general3A_640 {offsets = [0, 1152], sizes = [512, 128], strides = [1, 1]} : vector<512x2048xf32> to vector<512x128xf32>
    %add3A_765 = arith.addf %add3A_763, %slice3A_764 : vector<512x128xf32>
    %lt3A_766 = arith.cmpf olt, %add3A_765, %select_n3A_754 : vector<512x128xf32>
    %select_n3A_767 = arith.select %lt3A_766, %add3A_765, %select_n3A_754 : vector<512x128xi1>, vector<512x128xf32>
    %broadcast_in_dim3A_768 = arith.constant 57 : i32
    %broadcast_in_dim3A_769 = vector.broadcast %broadcast_in_dim3A_768 : i32 to vector<512x128xi32>
    %select_n3A_770 = arith.select %lt3A_766, %broadcast_in_dim3A_769, %select_n3A_757 : vector<512x128xi1>, vector<512x128xi32>
    %get3A_771 = arith.constant 0 : index
    %get3A_772 = arith.constant 7424 : index
    %get3A_773 = vector.load %arg1[%get3A_771, %get3A_772] : memref<1x8192xf32, #tpu.memory_space<vmem>>, vector<1x128xf32>
    %add3A_774 = vector.broadcast %broadcast_in_dim3A : vector<512x1xf32> to vector<512x128xf32>
    %add3A_775 = vector.broadcast %get3A_773 : vector<1x128xf32> to vector<512x128xf32>
    %add3A_776 = arith.addf %add3A_774, %add3A_775 : vector<512x128xf32>
    %slice3A_777 = vector.extract_strided_slice %dot_general3A_640 {offsets = [0, 1280], sizes = [512, 128], strides = [1, 1]} : vector<512x2048xf32> to vector<512x128xf32>
    %add3A_778 = arith.addf %add3A_776, %slice3A_777 : vector<512x128xf32>
    %lt3A_779 = arith.cmpf olt, %add3A_778, %select_n3A_767 : vector<512x128xf32>
    %select_n3A_780 = arith.select %lt3A_779, %add3A_778, %select_n3A_767 : vector<512x128xi1>, vector<512x128xf32>
    %broadcast_in_dim3A_781 = arith.constant 58 : i32
    %broadcast_in_dim3A_782 = vector.broadcast %broadcast_in_dim3A_781 : i32 to vector<512x128xi32>
    %select_n3A_783 = arith.select %lt3A_779, %broadcast_in_dim3A_782, %select_n3A_770 : vector<512x128xi1>, vector<512x128xi32>
    %get3A_784 = arith.constant 0 : index
    %get3A_785 = arith.constant 7552 : index
    %get3A_786 = vector.load %arg1[%get3A_784, %get3A_785] : memref<1x8192xf32, #tpu.memory_space<vmem>>, vector<1x128xf32>
    %add3A_787 = vector.broadcast %broadcast_in_dim3A : vector<512x1xf32> to vector<512x128xf32>
    %add3A_788 = vector.broadcast %get3A_786 : vector<1x128xf32> to vector<512x128xf32>
    %add3A_789 = arith.addf %add3A_787, %add3A_788 : vector<512x128xf32>
    %slice3A_790 = vector.extract_strided_slice %dot_general3A_640 {offsets = [0, 1408], sizes = [512, 128], strides = [1, 1]} : vector<512x2048xf32> to vector<512x128xf32>
    %add3A_791 = arith.addf %add3A_789, %slice3A_790 : vector<512x128xf32>
    %lt3A_792 = arith.cmpf olt, %add3A_791, %select_n3A_780 : vector<512x128xf32>
    %select_n3A_793 = arith.select %lt3A_792, %add3A_791, %select_n3A_780 : vector<512x128xi1>, vector<512x128xf32>
    %broadcast_in_dim3A_794 = arith.constant 59 : i32
    %broadcast_in_dim3A_795 = vector.broadcast %broadcast_in_dim3A_794 : i32 to vector<512x128xi32>
    %select_n3A_796 = arith.select %lt3A_792, %broadcast_in_dim3A_795, %select_n3A_783 : vector<512x128xi1>, vector<512x128xi32>
    %get3A_797 = arith.constant 0 : index
    %get3A_798 = arith.constant 7680 : index
    %get3A_799 = vector.load %arg1[%get3A_797, %get3A_798] : memref<1x8192xf32, #tpu.memory_space<vmem>>, vector<1x128xf32>
    %add3A_800 = vector.broadcast %broadcast_in_dim3A : vector<512x1xf32> to vector<512x128xf32>
    %add3A_801 = vector.broadcast %get3A_799 : vector<1x128xf32> to vector<512x128xf32>
    %add3A_802 = arith.addf %add3A_800, %add3A_801 : vector<512x128xf32>
    %slice3A_803 = vector.extract_strided_slice %dot_general3A_640 {offsets = [0, 1536], sizes = [512, 128], strides = [1, 1]} : vector<512x2048xf32> to vector<512x128xf32>
    %add3A_804 = arith.addf %add3A_802, %slice3A_803 : vector<512x128xf32>
    %lt3A_805 = arith.cmpf olt, %add3A_804, %select_n3A_793 : vector<512x128xf32>
    %select_n3A_806 = arith.select %lt3A_805, %add3A_804, %select_n3A_793 : vector<512x128xi1>, vector<512x128xf32>
    %broadcast_in_dim3A_807 = arith.constant 60 : i32
    %broadcast_in_dim3A_808 = vector.broadcast %broadcast_in_dim3A_807 : i32 to vector<512x128xi32>
    %select_n3A_809 = arith.select %lt3A_805, %broadcast_in_dim3A_808, %select_n3A_796 : vector<512x128xi1>, vector<512x128xi32>
    %get3A_810 = arith.constant 0 : index
    %get3A_811 = arith.constant 7808 : index
    %get3A_812 = vector.load %arg1[%get3A_810, %get3A_811] : memref<1x8192xf32, #tpu.memory_space<vmem>>, vector<1x128xf32>
    %add3A_813 = vector.broadcast %broadcast_in_dim3A : vector<512x1xf32> to vector<512x128xf32>
    %add3A_814 = vector.broadcast %get3A_812 : vector<1x128xf32> to vector<512x128xf32>
    %add3A_815 = arith.addf %add3A_813, %add3A_814 : vector<512x128xf32>
    %slice3A_816 = vector.extract_strided_slice %dot_general3A_640 {offsets = [0, 1664], sizes = [512, 128], strides = [1, 1]} : vector<512x2048xf32> to vector<512x128xf32>
    %add3A_817 = arith.addf %add3A_815, %slice3A_816 : vector<512x128xf32>
    %lt3A_818 = arith.cmpf olt, %add3A_817, %select_n3A_806 : vector<512x128xf32>
    %select_n3A_819 = arith.select %lt3A_818, %add3A_817, %select_n3A_806 : vector<512x128xi1>, vector<512x128xf32>
    %broadcast_in_dim3A_820 = arith.constant 61 : i32
    %broadcast_in_dim3A_821 = vector.broadcast %broadcast_in_dim3A_820 : i32 to vector<512x128xi32>
    %select_n3A_822 = arith.select %lt3A_818, %broadcast_in_dim3A_821, %select_n3A_809 : vector<512x128xi1>, vector<512x128xi32>
    %get3A_823 = arith.constant 0 : index
    %get3A_824 = arith.constant 7936 : index
    %get3A_825 = vector.load %arg1[%get3A_823, %get3A_824] : memref<1x8192xf32, #tpu.memory_space<vmem>>, vector<1x128xf32>
    %add3A_826 = vector.broadcast %broadcast_in_dim3A : vector<512x1xf32> to vector<512x128xf32>
    %add3A_827 = vector.broadcast %get3A_825 : vector<1x128xf32> to vector<512x128xf32>
    %add3A_828 = arith.addf %add3A_826, %add3A_827 : vector<512x128xf32>
    %slice3A_829 = vector.extract_strided_slice %dot_general3A_640 {offsets = [0, 1792], sizes = [512, 128], strides = [1, 1]} : vector<512x2048xf32> to vector<512x128xf32>
    %add3A_830 = arith.addf %add3A_828, %slice3A_829 : vector<512x128xf32>
    %lt3A_831 = arith.cmpf olt, %add3A_830, %select_n3A_819 : vector<512x128xf32>
    %select_n3A_832 = arith.select %lt3A_831, %add3A_830, %select_n3A_819 : vector<512x128xi1>, vector<512x128xf32>
    %broadcast_in_dim3A_833 = arith.constant 62 : i32
    %broadcast_in_dim3A_834 = vector.broadcast %broadcast_in_dim3A_833 : i32 to vector<512x128xi32>
    %select_n3A_835 = arith.select %lt3A_831, %broadcast_in_dim3A_834, %select_n3A_822 : vector<512x128xi1>, vector<512x128xi32>
    %get3A_836 = arith.constant 0 : index
    %get3A_837 = arith.constant 8064 : index
    %get3A_838 = vector.load %arg1[%get3A_836, %get3A_837] : memref<1x8192xf32, #tpu.memory_space<vmem>>, vector<1x128xf32>
    %add3A_839 = vector.broadcast %broadcast_in_dim3A : vector<512x1xf32> to vector<512x128xf32>
    %add3A_840 = vector.broadcast %get3A_838 : vector<1x128xf32> to vector<512x128xf32>
    %add3A_841 = arith.addf %add3A_839, %add3A_840 : vector<512x128xf32>
    %slice3A_842 = vector.extract_strided_slice %dot_general3A_640 {offsets = [0, 1920], sizes = [512, 128], strides = [1, 1]} : vector<512x2048xf32> to vector<512x128xf32>
    %add3A_843 = arith.addf %add3A_841, %slice3A_842 : vector<512x128xf32>
    %lt3A_844 = arith.cmpf olt, %add3A_843, %select_n3A_832 : vector<512x128xf32>
    %select_n3A_845 = arith.select %lt3A_844, %add3A_843, %select_n3A_832 : vector<512x128xi1>, vector<512x128xf32>
    %broadcast_in_dim3A_846 = arith.constant 63 : i32
    %broadcast_in_dim3A_847 = vector.broadcast %broadcast_in_dim3A_846 : i32 to vector<512x128xi32>
    %select_n3A_848 = arith.select %lt3A_844, %broadcast_in_dim3A_847, %select_n3A_835 : vector<512x128xi1>, vector<512x128xi32>
    %reduce_min3A = arith.constant dense<0x7F800000> : vector<512xf32>
    %reduce_min3A_849 = vector.multi_reduction <minimumf>, %select_n3A_845, %reduce_min3A [1] : vector<512x128xf32> to vector<512xf32>
    %broadcast_in_dim3A_850 = vector.shape_cast %reduce_min3A_849 : vector<512xf32> to vector<512x1xf32>
    %iota3A = tpu.iota {dimensions = array<i32: 1>} : vector<512x128xi32>
    %mul3A_851 = arith.constant 128 : i32
    %mul3A_852 = vector.broadcast %mul3A_851 : i32 to vector<512x128xi32>
    %mul3A_853 = arith.muli %select_n3A_848, %mul3A_852 : vector<512x128xi32>
    %add3A_854 = arith.addi %mul3A_853, %iota3A : vector<512x128xi32>
    %eq3A_855 = vector.broadcast %broadcast_in_dim3A_850 : vector<512x1xf32> to vector<512x128xf32>
    %eq3A_856 = arith.cmpf oeq, %select_n3A_845, %eq3A_855 : vector<512x128xf32>
    %jit3A = arith.constant 1073741824 : i32
    %broadcast_in_dim3A_857 = vector.broadcast %jit3A : i32 to vector<512x128xi32>
    %select_n3A_858 = arith.select %eq3A_856, %add3A_854, %broadcast_in_dim3A_857 : vector<512x128xi1>, vector<512x128xi32>
    %reduce_min3A_859 = arith.constant dense<2147483647> : vector<512xi32>
    %reduce_min3A_860 = vector.multi_reduction <minsi>, %select_n3A_858, %reduce_min3A_859 [1] : vector<512x128xi32> to vector<512xi32>
    %swap3A = arith.constant 0 : index
    %swap3A_861 = arith.constant 0 : index
    %swap3A_862 = arith.constant 0 : index
    %swap3A_863 = vector.load %arg4[%swap3A, %swap3A_861, %swap3A_862] : memref<1x1x512xi32, #tpu.memory_space<vmem>>, vector<1x1x512xi32>
    %swap3A_864 = vector.shape_cast %swap3A_863 : vector<1x1x512xi32> to vector<512xi32>
    %swap3A_865 = vector.shape_cast %reduce_min3A_860 : vector<512xi32> to vector<1x1x512xi32>
    tpu.vector_store %arg4[%swap3A, %swap3A_861, %swap3A_862], %swap3A_865 {strides = array<i32>} : memref<1x1x512xi32, #tpu.memory_space<vmem>>, vector<1x1x512xi32>,
    %reduce_sum3A_866 = vector.shape_cast %broadcast_in_dim3A_850 : vector<512x1xf32> to vector<1x512x1xf32>
    %reduce_sum3A_867 = arith.constant dense<0.000000e+00> : vector<1xf32>
    %reduce_sum3A_868 = vector.multi_reduction <add>, %reduce_sum3A_866, %reduce_sum3A_867 [1, 2] : vector<1x512x1xf32> to vector<1xf32>
    %reduce_sum3A_869 = vector.shape_cast %reduce_sum3A_868 : vector<1xf32> to vector<1x1x1xf32>
    %reduce_sum3A_870 = vector.extract %reduce_sum3A_869[0, 0, 0] : f32 from vector<1x1x1xf32>
    %reshape3A = vector.broadcast %reduce_sum3A_870 : f32 to vector<1x1xf32>
    %eq3A_871 = arith.constant 0 : i32
    %eq3A_872 = arith.cmpi eq, %arg0, %eq3A_871 : i32
    %get3A_873 = arith.constant 0 : index
    %get3A_874 = arith.constant 0 : index
    %get3A_875 = vector.load %arg5[%get3A_873, %get3A_874] : memref<1x1xf32, #tpu.memory_space<vmem>>, vector<1x1xf32>
    %add3A_876 = arith.addf %get3A_875, %reshape3A : vector<1x1xf32>
    %select_n3A_877 = arith.select %eq3A_872, %reshape3A, %add3A_876 : vector<1x1xf32>
    %swap3A_878 = arith.constant 0 : index
    %swap3A_879 = arith.constant 0 : index
    %swap3A_880 = vector.load %arg5[%swap3A_878, %swap3A_879] : memref<1x1xf32, #tpu.memory_space<vmem>>, vector<1x1xf32>
    tpu.vector_store %arg5[%swap3A_878, %swap3A_879], %select_n3A_877 {strides = array<i32>} : memref<1x1xf32, #tpu.memory_space<vmem>>, vector<1x1xf32>,
    return
  }
  func.func @transform_0(%arg0: i32) -> (i32, i32) {
    %c0_i32 = arith.constant 0 : i32
    %c0_i32_0 = arith.constant 0 : i32
    %c0_i32_1 = arith.constant 0 : i32
    return %c0_i32, %c0_i32_0 : i32, i32
  }
  func.func @transform_1(%arg0: i32) -> (i32, i32) {
    %c0_i32 = arith.constant 0 : i32
    %c0_i32_0 = arith.constant 0 : i32
    return %arg0, %c0_i32 : i32, i32
  }
  func.func @transform_2(%arg0: i32) -> (i32, i32) {
    %c0_i32 = arith.constant 0 : i32
    %c0_i32_0 = arith.constant 0 : i32
    %c0_i32_1 = arith.constant 0 : i32
    return %c0_i32, %c0_i32_0 : i32, i32
  }
  func.func @transform_3(%arg0: i32) -> (i32, i32, i32) {
    %c0_i32 = arith.constant 0 : i32
    %c0_i32_0 = arith.constant 0 : i32
    %c0_i32_1 = arith.constant 0 : i32
    return %arg0, %c0_i32, %c0_i32_0 : i32, i32, i32
  }
  func.func @transform_4(%arg0: i32) -> (i32, i32) {
    %c0_i32 = arith.constant 0 : i32
    %c0_i32_0 = arith.constant 0 : i32
    %c0_i32_1 = arith.constant 0 : i32
    return %c0_i32, %c0_i32_0 : i32, i32
  }
}

module attributes {stable_mosaic.version = 14 : i64} {
  func.func @_scalars_body(%arg0: memref<2x8192xf32, #tpu.memory_space<vmem>>, %arg1: memref<1x1xf32, #tpu.memory_space<vmem>>, %arg2: memref<1x1xf32, #tpu.memory_space<vmem>>, %arg3: memref<1x1xf32, #tpu.memory_space<vmem>>) attributes {dimension_semantics = [], scalar_prefetch = 0 : i64, scratch_operands = 0 : i64, tpu.core_type = #tpu.core_type<tc>} {
    %get3A = arith.constant 0 : index
    %get3A_0 = arith.constant 0 : index
    %get3A_1 = vector.load %arg0[%get3A, %get3A_0] : memref<2x8192xf32, #tpu.memory_space<vmem>>, vector<2x8192xf32>
    %slice3A = vector.extract_strided_slice %get3A_1 {offsets = [0, 0], sizes = [1, 8192], strides = [1, 1]} : vector<2x8192xf32> to vector<1x8192xf32>
    %slice3A_2 = vector.extract_strided_slice %get3A_1 {offsets = [1, 0], sizes = [1, 8192], strides = [1, 1]} : vector<2x8192xf32> to vector<1x8192xf32>
    %add3A = arith.addf %slice3A, %slice3A_2 : vector<1x8192xf32>
    %mul3A = arith.constant 1.08506945E-4 : f32
    %mul3A_3 = vector.broadcast %mul3A : f32 to vector<1x8192xf32>
    %mul3A_4 = arith.mulf %add3A, %mul3A_3 : vector<1x8192xf32>
    %add3A_5 = arith.constant 1.000000e-10 : f32
    %add3A_6 = vector.broadcast %add3A_5 : f32 to vector<1x8192xf32>
    %add3A_7 = arith.addf %mul3A_4, %add3A_6 : vector<1x8192xf32>
    %log3A = math.log %add3A_7 : vector<1x8192xf32>
    %mul3A_8 = arith.mulf %mul3A_4, %log3A : vector<1x8192xf32>
    %reduce_sum3A = vector.shape_cast %mul3A_8 : vector<1x8192xf32> to vector<1x1x8192xf32>
    %reduce_sum3A_9 = arith.constant dense<0.000000e+00> : vector<1xf32>
    %reduce_sum3A_10 = vector.multi_reduction <add>, %reduce_sum3A, %reduce_sum3A_9 [1, 2] : vector<1x1x8192xf32> to vector<1xf32>
    %reduce_sum3A_11 = vector.shape_cast %reduce_sum3A_10 : vector<1xf32> to vector<1x1x1xf32>
    %reduce_sum3A_12 = vector.extract %reduce_sum3A_11[0, 0, 0] : f32 from vector<1x1x1xf32>
    %neg3A = arith.constant 0.000000e+00 : f32
    %neg3A_13 = arith.subf %neg3A, %reduce_sum3A_12 : f32
    %exp3A = math.exp %neg3A_13 : f32
    %reshape3A = vector.broadcast %exp3A : f32 to vector<1x1xf32>
    %swap3A = arith.constant 0 : index
    %swap3A_14 = arith.constant 0 : index
    %swap3A_15 = vector.load %arg3[%swap3A, %swap3A_14] : memref<1x1xf32, #tpu.memory_space<vmem>>, vector<1x1xf32>
    tpu.vector_store %arg3[%swap3A, %swap3A_14], %reshape3A {strides = array<i32>} : memref<1x1xf32, #tpu.memory_space<vmem>>, vector<1x1xf32>,
    %get3A_16 = arith.constant 0 : index
    %get3A_17 = arith.constant 0 : index
    %get3A_18 = vector.load %arg1[%get3A_16, %get3A_17] : memref<1x1xf32, #tpu.memory_space<vmem>>, vector<1x1xf32>
    %mul3A_19 = arith.constant 1.05963814E-7 : f32
    %mul3A_20 = vector.broadcast %mul3A_19 : f32 to vector<1x1xf32>
    %mul3A_21 = arith.mulf %get3A_18, %mul3A_20 : vector<1x1xf32>
    %swap3A_22 = arith.constant 0 : index
    %swap3A_23 = arith.constant 0 : index
    %swap3A_24 = vector.load %arg2[%swap3A_22, %swap3A_23] : memref<1x1xf32, #tpu.memory_space<vmem>>, vector<1x1xf32>
    tpu.vector_store %arg2[%swap3A_22, %swap3A_23], %mul3A_21 {strides = array<i32>} : memref<1x1xf32, #tpu.memory_space<vmem>>, vector<1x1xf32>,
    return
  }
}

</mosaic_0001>

<sc_bundles>
// kernel: kernel.5.cloned.1.call-start
scs
__scs_entry_jumppad:
0x0: {  	(pc) =	sbr.rel $0x88, $3  }
0x1: {  	(tag) =	ssettag $0x0;
	lr =	simm.s32 $0x1  }
0x2: {  	[smem:$0x3F9F] =	sst lr;
	_ =	strace $0xD0000000  }
0x3: {  	_ = 	snop  }
0x4: {  	_ = 	snop  }
0x5: {  	_ = 	snop  }
0x6: {  	_ = 	snop  }
0x7: {  	_ = 	snop  }
__scs_overlays_trampoline_lowered:
0x8: {  	[smem:$0x3FAE] =	sst s0  }
0x9: {  	[smem:$0x3FAF] =	sst s1  }
0xa: {  	[smem:$0x3FB0] =	sst s2  }
0xb: {  	[smem:$0x3FB1] =	sst s3  }
0xc: {  	[smem:$0x3FB2] =	sst s4  }
0xd: {  	[smem:$0x3FB3] =	sst s5  }
0xe: {  	[smem:$0x3FB4] =	sst s6  }
0xf: {  	[smem:$0x3FB5] =	sst s7  }
0x10: {  	[smem:$0x3FB6] =	sst s8  }
0x11: {  	[smem:$0x3FB7] =	sst s9;
	s0 =	simm.s32 @!p0 $0x0  }
0x12: {  	s1 =	sld [smem:$0x3F9D];
	s0 =	simm.s32 @p0 $0x1  }
0x13: {  	[smem:$0x3FB8] =	sst s0;
	s0 =	simm.s32 @!p1 $0x0  }
0x14: {  	s2 =	sld [smem:$0x3F9C];
	s0 =	simm.s32 @p1 $0x1  }
0x15: {  	[smem:$0x3FB9] =	sst s0;
	s0 =	simm.s32 @!p2 $0x0  }
0x16: {  	s3 =	sld [smem:$0x3FDB];
	s0 =	simm.s32 @p2 $0x1  }
0x17: {  	s4 =	simm.s32 $0x1BF5;
	[smem:$0x3FBB] =	sst s0  }
0x18: {  	s0 =	sld [smem:$0x3F9E];
	_ =	swait.ge [sflag:s4], $0x0  }
0x19: {  	s7 =	sld [smem:$0x3F9F]  }
0x1a: {  	s8 =	sadd.s32 $0xFFFFE003, lr  }
0x1b: {  	s9 =	sadd.s32 $0xFFFFFEF7, lr;
	s5 =	simm.s32 $0xFFFFFFFF;
	p2 =	slt.u32 s8, $0xFFFFF086  }
0x1c: {  	p1 =	slt.u32 s9, $0xF7A;
	s5 =	simm.s32 @!p2 $0x0  }
0x1d: {  	s5 =	simm.s32 @p1 $0x1;
	p0 =	seq.s32 s7, s2  }
0x1e: {  	s7 =	smul.u32 @!p0 $0xF7A, s2;
	p2 =	seq.s32 @!p0 s5, $0x0  }
0x1f: {  	s9 =	smul.u32 $0xF7A, s1;
	s8 =	simm.s32 @!p0 $0x1BF5;
	p2 =	por !p2, p0  }
0x20: {  	[sflag:s8] =	ssyncset.s32 @!p0 $0xFFFFF086;
	s6 =	sadd.s32 @!p0 s3, s7;
	s7 =	simm.s32 @!p0 $0x108  }
0x21: {  	s3 =	sadd.s32 s3, s9;
	s6 =	sadd.s32 @!p0 $0x88, s6;
	s7 =	simm.s32 @p2 $0x1082  }
0x22: {  	[simem:s7], [sflag:s8] =	dma.local @!p0 [hbm:s6], $0xF7A  }
0x23: {  	s9 =	sor.u32 $0xD0000000, s2;
	s6 =	simm.s32 $0x108;
	_ =	swait.ge @!p0 [sflag:s8], $0x0  }
0x24: {  	s3 =	sadd.s32 $0x88, s3;
	s6 =	simm.s32 @!p1 $0x1082;
	[sflag:s4] =	ssyncset.s32 $0xFFFFF086  }
0x25: {  	[simem:s6], [sflag:s4] =	dma.local [hbm:s3], $0xF7A  }
0x26: {  	[smem:$0x3F9F] =	sst s1;
	(tag) =	ssettag s2;
	_ =	strace s9  }
0x27: {  	s1 =	sld [smem:$0x3FAF]  }
0x28: {  	s2 =	sld [smem:$0x3FB0]  }
0x29: {  	s4 =	sld [smem:$0x3FB2]  }
0x2a: {  	p0 =	seq.s32 s5, $0x0;
	s5 =	sld [smem:$0x3FB3]  }
0x2b: {  	s6 =	sld [smem:$0x3FB4]  }
0x2c: {  	s7 =	sld [smem:$0x3FB5]  }
0x2d: {  	s3 =	simm.s32 $0x108;
	s8 =	sld [smem:$0x3FB6]  }
0x2e: {  	s3 =	simm.s32 @!p0 $0x1082;
	s9 =	sld [smem:$0x3FB7]  }
0x2f: {  	lr =	sadd.s32 s0, s3;
	s0 =	sld [smem:$0x3FAE]  }
0x30: {  	s3 =	sld [smem:$0x3FB1]  }
0x31: {  	[smem:$0x3FBA] =	sst s10  }
0x32: {  	s10 =	sld [smem:$0x3FB8];
	_ =	sdelay $0x3  }
0x33: {  	p0 =	seq.s32 s10, $0x1;
	s10 =	sld [smem:$0x3FBA];
	_ =	sdelay $0x3  }
0x34: {  	[smem:$0x3FBA] =	sst s10  }
0x35: {  	s10 =	sld [smem:$0x3FB9];
	_ =	sdelay $0x3  }
0x36: {  	p1 =	seq.s32 s10, $0x1;
	s10 =	sld [smem:$0x3FBA];
	_ =	sdelay $0x3  }
0x37: {  	[smem:$0x3FBA] =	sst s10  }
0x38: {  	s10 =	sld [smem:$0x3FBB]  }
0x39: {  	_ = 	snop;
	(pc) =	sbr.ind lr, $3  }
0x3a: {  	_ = 	snop  }
0x3b: {  	_ = 	snop  }
0x3c: {  	p2 =	seq.s32 s10, $0x1;
	s10 =	sld [smem:$0x3FBA]  }
0x3d: {  	_ =	shalt  }
0x3e: {  	_ =	shalt  }
0x3f: {  	_ =	shalt  }
0x40: {  	_ =	shalt  }
0x41: {  	_ =	shalt  }
0x42: {  	_ =	shalt  }
0x43: {  	_ =	shalt  }
0x44: {  	_ =	shalt  }
0x45: {  	_ =	shalt  }
0x46: {  	_ =	shalt  }
0x47: {  	_ =	shalt  }
0x48: {  	_ =	shalt  }
0x49: {  	_ =	shalt  }
0x4a: {  	_ =	shalt  }
0x4b: {  	_ =	shalt  }
0x4c: {  	_ =	shalt  }
0x4d: {  	_ =	shalt  }
0x4e: {  	_ =	shalt  }
0x4f: {  	_ =	shalt  }
0x50: {  	_ =	shalt  }
0x51: {  	_ =	shalt  }
0x52: {  	_ =	shalt  }
0x53: {  	_ =	shalt  }
0x54: {  	_ =	shalt  }
0x55: {  	_ =	shalt  }
0x56: {  	_ =	shalt  }
0x57: {  	_ =	shalt  }
0x58: {  	_ =	shalt  }
0x59: {  	_ =	shalt  }
0x5a: {  	_ =	shalt  }
0x5b: {  	_ =	shalt  }
0x5c: {  	_ =	shalt  }
0x5d: {  	_ =	shalt  }
0x5e: {  	_ =	shalt  }
0x5f: {  	_ =	shalt  }
0x60: {  	_ =	shalt  }
0x61: {  	_ =	shalt  }
0x62: {  	_ =	shalt  }
0x63: {  	_ =	shalt  }
0x64: {  	_ =	shalt  }
0x65: {  	_ =	shalt  }
0x66: {  	_ =	shalt  }
0x67: {  	_ =	shalt  }
0x68: {  	_ =	shalt  }
0x69: {  	_ =	shalt  }
0x6a: {  	_ =	shalt  }
0x6b: {  	_ =	shalt  }
0x6c: {  	_ =	shalt  }
0x6d: {  	_ =	shalt  }
0x6e: {  	_ =	shalt  }
0x6f: {  	_ =	shalt  }
0x70: {  	_ =	shalt  }
0x71: {  	_ =	shalt  }
0x72: {  	_ =	shalt  }
0x73: {  	_ =	shalt  }
0x74: {  	_ =	shalt  }
0x75: {  	_ =	shalt  }
0x76: {  	_ =	shalt  }
0x77: {  	_ =	shalt  }
0x78: {  	_ =	shalt  }
0x79: {  	_ =	shalt  }
0x7a: {  	_ =	shalt  }
0x7b: {  	_ =	shalt  }
0x7c: {  	_ =	shalt  }
0x7d: {  	_ =	shalt  }
0x7e: {  	_ =	shalt  }
0x7f: {  	_ =	shalt  }
0x80: {  	_ =	shalt  }
0x81: {  	_ =	shalt  }
0x82: {  	_ =	shalt  }
0x83: {  	_ =	shalt  }
0x84: {  	_ =	shalt  }
0x85: {  	_ =	shalt  }
0x86: {  	_ =	shalt  }
0x87: {  	_ =	shalt  }
.Lfunc_end0:
.L_simem_size_0:
called_computation_lowered:
.L_overlay_start_0:
0x88: {  	s2 =	sld [smem:$0x3FD9]  }
0x89: {  	s3 =	sld [smem:$0x3FFE];
	_ =	sdelay $0x1  }
0x8a: {  	s1 =	srdreg.scid  }
0x8b: {  	s0 =	sand.u32 $0x1, s1  }
0x8c: {  	s14 =	sshll.u32 s0, $0xA;
	s2 =	sadd.s32 s3, s2  }
0x8d: {  	s2 =	sadd.s32 s2, s14  }
0x8e: {  	[smem:$0x3FC6] =	sst s2  }
0x8f: {  	_ = 	snop  }
0x90: {  	s2 =	sld [smem:$0x3FD0];
	_ =	sdelay $0x2  }
0x91: {  	s4 =	simm.s32 $0xA;
	s5 =	simm.s32 $0x10;
	s15 =	sld [smem:$0x3FC8]  }
0x92: {  	[smem:s5], [sflag:s4] =	dma.local [hbm:s2], $0x1  }
0x93: {  	_ =	swait.eq [sflag:s4], $0x1  }
0x94: {  	[sflag:s4] =	ssyncset.done $0x0  }
0x95: {  	[sflag:s4] =	ssyncadd.s32 $0xFFFFFFFF  }
0x96: {  	s16 =	sld [smem:$0x10];
	(tm) =	ssettm $0x1  }
0x97: {  	s17 =	sld [smem:$0x3FFB];
	_ =	sdelay $0x3  }
0x98: {  	_ =	strace s17  }
0x99: {  	s4 =	sld [smem:$0x3FFC];
	_ =	sdelay $0x3  }
0x9a: {  	_ =	strace s4  }
0x9b: {  	s4 =	sld [smem:$0x3FFD];
	_ =	sdelay $0x3  }
0x9c: {  	_ =	strace s4  }
0x9d: {  	_ =	strace $0x8FFFFFFF  }
0x9e: {  	s18 =	sld [smem:$0x3FDB];
	_ =	sdelay $0x1  }
0x9f: {  	s19 =	simm.s32 $_scs_section_size  }
0xa0: {  	s6 =	simm.s32 $_size__tile_overlayer_lowered;
	s7 =	simm.s32 $_tile_overlayer_lowered  }
0xa1: {  	s22 =	simm.s32 $0x1BFF;
	s21 =	sshll.u32 s7, $0x1;
	s4 =	sadd.s32 s19, s18  }
0xa2: {  	s8 =	simm.s32 $0x0;
	s20 =	sshll.u32 s6, $0x1;
	s6 =	sadd.s32 s21, s4  }
0xa3: {  	[timem:s8], [sflag:s22] =	dma.local [hbm:s6], s20  }
0xa4: {  	_ =	swait.ge [sflag:s22], s20  }
0xa5: {  	s5 =	ssub.s32 $0x0, s20;
	[sflag:s22] =	ssyncset.done $0x0  }
0xa6: {  	[sflag:s22] =	ssyncadd.s32 s5;
	_ =	sdelay $0x1  }
0xa7: {  	s23 =	simm.s32 $0x1B8B  }
0xa8: {  	_ =	swait.ge [sflag:s23], $0x1  }
0xa9: {  	[sflag:s23] =	ssyncset.done $0x0  }
0xaa: {  	s25 =	simm.s32 $0x1B8E;
	s24 =	sld [smem:$0x3FFE];
	[sflag:s23] =	ssyncadd.s32 $0xFFFFFFFF  }
0xab: {  	s26 =	simm.s32 $execute0_lowered;
	[smem:$0x3FD2] =	sst s25  }
0xac: {  	s6 =	sshll.u32 s26, $0x1;
	_ =	strace $0x80000046;
	[dreg:$0x1] =	wrdreg $0xFFFFFFFF  }
0xad: {  	s28 =	simm.s32 $_size_execute0_lowered;
	s4 =	sadd.s32 s4, s6;
	[dreg:$0x0] =	wrdreg $0x0  }
0xae: {  	s6 =	sshll.u32 s28, $0x1;
	[dreg:$0x2] =	wrdreg s4  }
0xaf: {  	[dreg:$0x3] =	wrdreg s6  }
0xb0: {  	[dreg:$0x4] =	wrdreg $0xC0  }
0xb1: {  	_ =	task [dreg:s8], $0x5FFFF  }
0xb2: {  	[dreg:$0x1] =	wrdreg $0xFFFFFFFF  }
0xb3: {  	[dreg:$0x0] =	wrdreg $0x60  }
0xb4: {  	[dreg:$0x2] =	wrdreg s15  }
0xb5: {  	[dreg:$0x3] =	wrdreg s24  }
0xb6: {  	[dreg:$0x4] =	wrdreg s16  }
0xb7: {  	[dreg:$0x5] =	wrdreg $0x122800  }
0xb8: {  	[dreg:$0x6] =	wrdreg $0x9  }
0xb9: {  	_ =	task.clear_ibuf [dreg:s8], $0x7FFFF;
	_ =	strace $0x90000046  }
0xba: {  	s29 =	simm.s32 $0x9;
	_ =	strace $0x80000048  }
0xbb: {  	_ =	swait.ge [sflag:s29], $0x1  }
0xbc: {  	[sflag:s29] =	ssyncadd.s32 $0xFFFFFFFF  }
0xbd: {  	_ =	strace $0x90000048  }
0xbe: {  	_ =	sfence  }
0xbf: {  	s30 =	sld [smem:$0x0];
	_ =	sdelay $0x2  }
0xc0: {  	s31 =	sshll.u32 s1, $0xD;
	s1 =	sshrl.u32 s1, $0x2  }
0xc1: {  	s3 =	sand.u32 $0x4000, s31;
	s1 =	sadd.s32 s1, s30  }
0xc2: {  	s0 =	sor.u32 s3, s0;
	s1 =	sshll.u32 s1, $0x11  }
0xc3: {  	s0 =	sor.u32 s1, s0  }
0xc4: {  	s0 =	sadd.s32 $0x8F2B, s0  }
0xc5: {  	[sflag:s0] =	ssyncadd.remote.s32 $0x1  }
0xc6: {  	_ =	sfence.sel $0xFFFF  }
0xc7: {  	[dreg:$0x0] =	wrdreg $0xFFFFFFFF;
	(pc) =	sbr.abs _section_cstart, $3  }
0xc8: {  	[dreg:$0x1] =	wrdreg $0xFFFFFFFF  }
0xc9: {  	_ =	task.clear_ibuf [dreg:s8], $0x2FFFF;
	_ =	strace $0x9FFFFFFF  }
0xca: {  	(tm) =	ssettm $0x7FFFFFFF  }
0xcb: {  	_ =	shalt  }
tec
execute0_lowered:
.L_overlay_start_1:
0x0: {  	(tag) =	ssettag $0x1  }
0x1: {  	s1 =	rddreg [dreg:$0x0]  }
0x2: {  	s4 =	rddreg [dreg:$0x1]  }
0x3: {  	s5 =	rddreg [dreg:$0x2]  }
0x4: {  	s2 =	rddreg [dreg:$0x3];
	s3 =	simm.s32 $0x0  }
0x5: {  	[smem:$0x7FF] =	sst s3;
	s10 =	sadd.s32 $0x1200, s4  }
0x6: {  	s11 =	simm.s32 $0x1A00;
	_ =	strace $0x80000047;
	[dreg:$0x5] =	wrdreg s10  }
0x7: {  	s12 =	simm.s32 $0x2200;
	[dreg:$0xb] =	wrdreg s11  }
0x8: {  	s13 =	simm.s32 $0x2A00;
	[dreg:$0xc] =	wrdreg s12  }
0x9: {  	s14 =	simm.s32 $0x3200;
	[dreg:$0xd] =	wrdreg s13  }
0xa: {  	s15 =	simm.s32 $0x3A00;
	[dreg:$0xe] =	wrdreg s14  }
0xb: {  	s16 =	simm.s32 $0x4200;
	[dreg:$0xf] =	wrdreg s15  }
0xc: {  	s17 =	simm.s32 $0x4A00;
	[dreg:$0x10] =	wrdreg s16  }
0xd: {  	s18 =	simm.s32 $0x5200;
	[dreg:$0x11] =	wrdreg s17  }
0xe: {  	s19 =	simm.s32 $0x5A00;
	[dreg:$0x12] =	wrdreg s18  }
0xf: {  	s20 =	simm.s32 $0x6200;
	[dreg:$0x13] =	wrdreg s19  }
0x10: {  	s21 =	simm.s32 $0x6A00;
	[dreg:$0x14] =	wrdreg s20  }
0x11: {  	s6 =	srdreg.scid;
	s22 =	simm.s32 $0x7200;
	[dreg:$0x15] =	wrdreg s21  }
0x12: {  	s7 =	stileid.u32;
	s24 =	simm.s32 $0x7A00;
	[dreg:$0x16] =	wrdreg s22  }
0x13: {  	s25 =	simm.s32 $0x8200;
	s26 =	simm.s32 $0x8A00;
	[dreg:$0x17] =	wrdreg s24  }
0x14: {  	s28 =	simm.s32 $0x9200;
	s29 =	simm.s32 $0x9A00;
	[dreg:$0x18] =	wrdreg s25  }
0x15: {  	s30 =	simm.s32 $0xA200;
	s31 =	simm.s32 $0xAA00;
	[dreg:$0x19] =	wrdreg s26  }
0x16: {  	s6 =	sand.u32 $0x1, s6;
	s8 =	sshll.u32 s7, $0x1;
	[dreg:$0x1a] =	wrdreg s28  }
0x17: {  	p0 =	sne.s32 s7, $0x0;
	s7 =	simm.s32 $0x200;
	[dreg:$0x1b] =	wrdreg s29  }
0x18: {  	s8 =	sor.u32 s6, s8;
	s0 =	sshll.u32 s6, $0x4;
	[dreg:$0x1c] =	wrdreg s30  }
0x19: {  	s10 =	simm.s32 $0x1200;
	s23 =	ssub.s32 $0x2, s6;
	[dreg:$0x1d] =	wrdreg s31  }
0x1a: {  	s11 =	simm.s32 $0xCA00;
	s12 =	simm.s32 $0xD200;
	s13 =	simm.s32 $0xDA00  }
0x1b: {  	s14 =	simm.s32 $0xE200;
	s15 =	simm.s32 $0xEA00;
	s16 =	simm.s32 $0xF200  }
0x1c: {  	s17 =	simm.s32 $0xFA00;
	s18 =	simm.s32 $0x10200;
	s19 =	simm.s32 $0x10A00  }
0x1d: {  	s20 =	simm.s32 $0x11200;
	s21 =	simm.s32 $0x11A00;
	s22 =	simm.s32 $0x1  }
0x1e: {  	s24 =	simm.s32 $0x12200;
	s25 =	simm.s32 $0x80;
	s9 =	sshll.u32 s8, $0x6  }
0x1f: {  	s26 =	simm.s32 $0x100;
	s8 =	smul.u32 $0x2400, s8;
	s9 =	sadd.s32 s9, s4  }
0x20: {  	[dreg:$0xa] =	wrdreg s10;
	s6 =	sshrl.u32 s23, $0x1;
	s9 =	sadd.s32 $0xA00, s9  }
0x21: {  	s4 =	sadd.s32 s0, s4;
	s5 =	sadd.s32 s5, s8;
	[dreg:$0x6] =	wrdreg s9  }
0x22: {  	s10 =	simm.s32 $0xC200;
	s4 =	sadd.s32 $0x1600, s4;
	[dreg:$0x7] =	wrdreg s5  }
0x23: {  	v3 =	vlaneseq.u32;
	[dreg:$0x8] =	wrdreg s4;
	s9 =	simm.s32 $0xA00;
	s5 =	ssub.s32 s23, s6  }
0x24: {  	v0 =	vimm.f32 $1.000000000e+00;
	vm0 =	vmmov $0xffff;
	v2 =	vshrl.u32 v3, $0x3;
	s6 =	simm.s32 $0x2;
	s23 =	simm.s32 $0x60;
	[dreg:$0x9] =	wrdreg s9  }
0x25: {  	v1 =	vand.u32 $0x7, v3;
	v3 =	vor.u32 $0x8, v3;
	v2 =	vmul.u32 $0x8, v2;
	s4 =	smax.u32 s5, $0x1;
	s5 =	sshrl.u32 @!p0 s2, $0x3;
	s9 =	simm.s32 $0xBA00  }
.LBB2_1:
0x26: {  	s28 =	rddreg [dreg:$0x5];
	s29 =	simm.s32 @!p0 $0x1C02  }
0x27: {  	[spmem:s5], [sflag:s29] =	dma.local @!p0 [hbm:s28], $0x400  }
0x28: {  	s28 =	simm.s32 @!p0 $0x2  }
0x29: {  	_ =	swait.ge @!p0 [sflag:s28], $0x400  }
0x2a: {  	[sflag:s28] =	ssyncset.done @!p0 $0x0  }
0x2b: {  	s30 =	rddreg [dreg:$0x6];
	[sflag:s28] =	ssyncadd.s32 @!p0 $0xFFFFFC00  }
0x2c: {  	[tilespmem:s3], [sflag:$0x2] =	stream.linear.gather [hbm4b:s30+s3], $0x180, $0x38;
	[tilespmem:$0x12480] =	vst v63  }
0x2d: {  	_ =	swait.ge [sflag:s6], $0x180  }
0x2e: {  	[sflag:s6] =	ssyncset.done $0x0  }
0x2f: {  	[sflag:s6] =	ssyncadd.s32 $0xFFFFFE80  }
0x30: {  	v4 =	vld [tilespmem:$0x0];
	_ =	sdelay $0x4  }
0x31: {  	v5 =	vshll.u32 v4, $0x1  }
0x32: {  	v4 =	vand.u32 $0x7, v4;
	v5 =	vand.u32 $0xFFFFFFF0, v5  }
0x33: {  	v4 =	vor.u32 v4, v5  }
0x34: {  	v5 =	vperm.xlane v4, v1  }
0x35: {  	[tilespmem:$0x12200] =	vst v0  }
0x36: {  	[tilespmem:$0x12210] =	vst v0;
	v4 =	vperm.xlane v4, v3;
	v5 =	vadd.s32 v2, v5  }
0x37: {  	[tilespmem:$0x12220] =	vst v0  }
0x38: {  	[tilespmem:$0x12230] =	vst v0;
	v4 =	vadd.s32 v2, v4  }
0x39: {  	[tilespmem:$0x12240] =	vst v0  }
0x3a: {  	[tilespmem:$0x12250] =	vst v0  }
0x3b: {  	[tilespmem:s7], [sflag:$0x1] =	stream.indirect_vreg.gather [hbm4b:s1+s3], $0x80, v5, vm0, $0xb8;
	[tilespmem:$0x12480] =	vst v63  }
0x3c: {  	s0 =	rddreg [dreg:$0x9]  }
0x3d: {  	[tilespmem:s0], [sflag:$0x1] =	stream.indirect_vreg.gather [hbm4b:s1+s3], $0x80, v4, vm0, $0xb8;
	[tilespmem:$0x12480] =	vst v63  }
0x3e: {  	v4 =	vld [tilespmem:$0x10];
	_ =	sdelay $0x4  }
0x3f: {  	v5 =	vshll.u32 v4, $0x1  }
0x40: {  	v4 =	vand.u32 $0x7, v4;
	v5 =	vand.u32 $0xFFFFFFF0, v5  }
0x41: {  	v4 =	vor.u32 v4, v5  }
0x42: {  	v5 =	vperm.xlane v4, v1;
	_ =	sdelay $0x1  }
0x43: {  	v4 =	vperm.xlane v4, v3;
	v5 =	vadd.s32 v2, v5;
	_ =	sdelay $0x1  }
0x44: {  	v4 =	vadd.s32 v2, v4;
	_ =	sdelay $0x1  }
0x45: {  	s8 =	rddreg [dreg:$0xa]  }
0x46: {  	[tilespmem:s8], [sflag:$0x1] =	stream.indirect_vreg.gather [hbm4b:s1+s3], $0x80, v5, vm0, $0xb8;
	[tilespmem:$0x12480] =	vst v63  }
0x47: {  	s31 =	rddreg [dreg:$0xb]  }
0x48: {  	[tilespmem:s31], [sflag:$0x1] =	stream.indirect_vreg.gather [hbm4b:s1+s3], $0x80, v4, vm0, $0xb8;
	[tilespmem:$0x12480] =	vst v63  }
0x49: {  	v4 =	vld [tilespmem:$0x20];
	_ =	sdelay $0x4  }
0x4a: {  	v5 =	vshll.u32 v4, $0x1  }
0x4b: {  	v4 =	vand.u32 $0x7, v4;
	v5 =	vand.u32 $0xFFFFFFF0, v5  }
0x4c: {  	v4 =	vor.u32 v4, v5  }
0x4d: {  	v5 =	vperm.xlane v4, v1;
	_ =	sdelay $0x1  }
0x4e: {  	v4 =	vperm.xlane v4, v3;
	v5 =	vadd.s32 v2, v5;
	_ =	sdelay $0x1  }
0x4f: {  	v4 =	vadd.s32 v2, v4;
	_ =	sdelay $0x1  }
0x50: {  	s0 =	rddreg [dreg:$0xc]  }
0x51: {  	[tilespmem:s0], [sflag:$0x1] =	stream.indirect_vreg.gather [hbm4b:s1+s3], $0x80, v5, vm0, $0xb8;
	[tilespmem:$0x12480] =	vst v63  }
0x52: {  	s8 =	rddreg [dreg:$0xd]  }
0x53: {  	[tilespmem:s8], [sflag:$0x1] =	stream.indirect_vreg.gather [hbm4b:s1+s3], $0x80, v4, vm0, $0xb8;
	[tilespmem:$0x12480] =	vst v63  }
0x54: {  	v4 =	vld [tilespmem:$0x30];
	_ =	sdelay $0x4  }
0x55: {  	v5 =	vshll.u32 v4, $0x1  }
0x56: {  	v4 =	vand.u32 $0x7, v4;
	v5 =	vand.u32 $0xFFFFFFF0, v5  }
0x57: {  	v4 =	vor.u32 v4, v5  }
0x58: {  	v5 =	vperm.xlane v4, v1;
	_ =	sdelay $0x1  }
0x59: {  	v4 =	vperm.xlane v4, v3;
	v5 =	vadd.s32 v2, v5;
	_ =	sdelay $0x1  }
0x5a: {  	v4 =	vadd.s32 v2, v4;
	_ =	sdelay $0x1  }
0x5b: {  	s0 =	rddreg [dreg:$0xe]  }
0x5c: {  	[tilespmem:s0], [sflag:$0x1] =	stream.indirect_vreg.gather [hbm4b:s1+s3], $0x80, v5, vm0, $0xb8;
	[tilespmem:$0x12480] =	vst v63  }
0x5d: {  	s8 =	rddreg [dreg:$0xf]  }
0x5e: {  	[tilespmem:s8], [sflag:$0x1] =	stream.indirect_vreg.gather [hbm4b:s1+s3], $0x80, v4, vm0, $0xb8;
	[tilespmem:$0x12480] =	vst v63  }
0x5f: {  	v4 =	vld [tilespmem:$0x40];
	_ =	sdelay $0x4  }
0x60: {  	v5 =	vshll.u32 v4, $0x1  }
0x61: {  	v4 =	vand.u32 $0x7, v4;
	v5 =	vand.u32 $0xFFFFFFF0, v5  }
0x62: {  	v4 =	vor.u32 v4, v5  }
0x63: {  	v5 =	vperm.xlane v4, v1;
	_ =	sdelay $0x1  }
0x64: {  	v4 =	vperm.xlane v4, v3;
	v5 =	vadd.s32 v2, v5;
	_ =	sdelay $0x1  }
0x65: {  	v4 =	vadd.s32 v2, v4;
	_ =	sdelay $0x1  }
0x66: {  	s0 =	rddreg [dreg:$0x10]  }
0x67: {  	[tilespmem:s0], [sflag:$0x1] =	stream.indirect_vreg.gather [hbm4b:s1+s3], $0x80, v5, vm0, $0xb8;
	[tilespmem:$0x12480] =	vst v63  }
0x68: {  	s8 =	rddreg [dreg:$0x11]  }
0x69: {  	[tilespmem:s8], [sflag:$0x1] =	stream.indirect_vreg.gather [hbm4b:s1+s3], $0x80, v4, vm0, $0xb8;
	[tilespmem:$0x12480] =	vst v63  }
0x6a: {  	v4 =	vld [tilespmem:$0x50];
	_ =	sdelay $0x4  }
0x6b: {  	v5 =	vshll.u32 v4, $0x1  }
0x6c: {  	v4 =	vand.u32 $0x7, v4;
	v5 =	vand.u32 $0xFFFFFFF0, v5  }
0x6d: {  	v4 =	vor.u32 v4, v5  }
0x6e: {  	v5 =	vperm.xlane v4, v1;
	_ =	sdelay $0x1  }
0x6f: {  	v4 =	vperm.xlane v4, v3;
	v5 =	vadd.s32 v2, v5;
	_ =	sdelay $0x1  }
0x70: {  	v4 =	vadd.s32 v2, v4;
	_ =	sdelay $0x1  }
0x71: {  	s0 =	rddreg [dreg:$0x12]  }
0x72: {  	[tilespmem:s0], [sflag:$0x1] =	stream.indirect_vreg.gather [hbm4b:s1+s3], $0x80, v5, vm0, $0xb8;
	[tilespmem:$0x12480] =	vst v63  }
0x73: {  	s8 =	rddreg [dreg:$0x13]  }
0x74: {  	[tilespmem:s8], [sflag:$0x1] =	stream.indirect_vreg.gather [hbm4b:s1+s3], $0x80, v4, vm0, $0xb8;
	[tilespmem:$0x12480] =	vst v63  }
0x75: {  	v4 =	vld [tilespmem:$0x80];
	_ =	sdelay $0x4  }
0x76: {  	v5 =	vshll.u32 v4, $0x1  }
0x77: {  	v4 =	vand.u32 $0x7, v4;
	v5 =	vand.u32 $0xFFFFFFF0, v5  }
0x78: {  	v4 =	vor.u32 v4, v5  }
0x79: {  	v5 =	vperm.xlane v4, v1;
	_ =	sdelay $0x1  }
0x7a: {  	v4 =	vperm.xlane v4, v3;
	v5 =	vadd.s32 v2, v5;
	_ =	sdelay $0x1  }
0x7b: {  	v4 =	vadd.s32 v2, v4;
	_ =	sdelay $0x1  }
0x7c: {  	s0 =	rddreg [dreg:$0x14]  }
0x7d: {  	[tilespmem:s0], [sflag:$0x1] =	stream.indirect_vreg.gather [hbm4b:s1+s3], $0x80, v5, vm0, $0xb8;
	[tilespmem:$0x12480] =	vst v63  }
0x7e: {  	s8 =	rddreg [dreg:$0x15]  }
0x7f: {  	[tilespmem:s8], [sflag:$0x1] =	stream.indirect_vreg.gather [hbm4b:s1+s3], $0x80, v4, vm0, $0xb8;
	[tilespmem:$0x12480] =	vst v63  }
0x80: {  	v4 =	vld [tilespmem:$0x90];
	_ =	sdelay $0x4  }
0x81: {  	v5 =	vshll.u32 v4, $0x1  }
0x82: {  	v4 =	vand.u32 $0x7, v4;
	v5 =	vand.u32 $0xFFFFFFF0, v5  }
0x83: {  	v4 =	vor.u32 v4, v5  }
0x84: {  	v5 =	vperm.xlane v4, v1;
	_ =	sdelay $0x1  }
0x85: {  	v4 =	vperm.xlane v4, v3;
	v5 =	vadd.s32 v2, v5;
	_ =	sdelay $0x1  }
0x86: {  	v4 =	vadd.s32 v2, v4;
	_ =	sdelay $0x1  }
0x87: {  	s0 =	rddreg [dreg:$0x16]  }
0x88: {  	[tilespmem:s0], [sflag:$0x1] =	stream.indirect_vreg.gather [hbm4b:s1+s3], $0x80, v5, vm0, $0xb8;
	[tilespmem:$0x12480] =	vst v63  }
0x89: {  	s8 =	rddreg [dreg:$0x17]  }
0x8a: {  	[tilespmem:s8], [sflag:$0x1] =	stream.indirect_vreg.gather [hbm4b:s1+s3], $0x80, v4, vm0, $0xb8;
	[tilespmem:$0x12480] =	vst v63  }
0x8b: {  	v4 =	vld [tilespmem:$0xA0];
	_ =	sdelay $0x4  }
0x8c: {  	v5 =	vshll.u32 v4, $0x1  }
0x8d: {  	v4 =	vand.u32 $0x7, v4;
	v5 =	vand.u32 $0xFFFFFFF0, v5  }
0x8e: {  	v4 =	vor.u32 v4, v5  }
0x8f: {  	v5 =	vperm.xlane v4, v1;
	_ =	sdelay $0x1  }
0x90: {  	v4 =	vperm.xlane v4, v3;
	v5 =	vadd.s32 v2, v5;
	_ =	sdelay $0x1  }
0x91: {  	v4 =	vadd.s32 v2, v4;
	_ =	sdelay $0x1  }
0x92: {  	s0 =	rddreg [dreg:$0x18]  }
0x93: {  	[tilespmem:s0], [sflag:$0x1] =	stream.indirect_vreg.gather [hbm4b:s1+s3], $0x80, v5, vm0, $0xb8;
	[tilespmem:$0x12480] =	vst v63  }
0x94: {  	s8 =	rddreg [dreg:$0x19]  }
0x95: {  	[tilespmem:s8], [sflag:$0x1] =	stream.indirect_vreg.gather [hbm4b:s1+s3], $0x80, v4, vm0, $0xb8;
	[tilespmem:$0x12480] =	vst v63  }
0x96: {  	v4 =	vld [tilespmem:$0xB0];
	_ =	sdelay $0x4  }
0x97: {  	v5 =	vshll.u32 v4, $0x1  }
0x98: {  	v4 =	vand.u32 $0x7, v4;
	v5 =	vand.u32 $0xFFFFFFF0, v5  }
0x99: {  	v4 =	vor.u32 v4, v5  }
0x9a: {  	v5 =	vperm.xlane v4, v1;
	_ =	sdelay $0x1  }
0x9b: {  	v4 =	vperm.xlane v4, v3;
	v5 =	vadd.s32 v2, v5;
	_ =	sdelay $0x1  }
0x9c: {  	v4 =	vadd.s32 v2, v4;
	_ =	sdelay $0x1  }
0x9d: {  	s0 =	rddreg [dreg:$0x1a]  }
0x9e: {  	[tilespmem:s0], [sflag:$0x1] =	stream.indirect_vreg.gather [hbm4b:s1+s3], $0x80, v5, vm0, $0xb8;
	[tilespmem:$0x12480] =	vst v63  }
0x9f: {  	s8 =	rddreg [dreg:$0x1b]  }
0xa0: {  	[tilespmem:s8], [sflag:$0x1] =	stream.indirect_vreg.gather [hbm4b:s1+s3], $0x80, v4, vm0, $0xb8;
	[tilespmem:$0x12480] =	vst v63  }
0xa1: {  	v4 =	vld [tilespmem:$0xC0];
	_ =	sdelay $0x4  }
0xa2: {  	v5 =	vshll.u32 v4, $0x1  }
0xa3: {  	v4 =	vand.u32 $0x7, v4;
	v5 =	vand.u32 $0xFFFFFFF0, v5  }
0xa4: {  	v4 =	vor.u32 v4, v5  }
0xa5: {  	v5 =	vperm.xlane v4, v1;
	_ =	sdelay $0x1  }
0xa6: {  	v4 =	vperm.xlane v4, v3;
	v5 =	vadd.s32 v2, v5;
	_ =	sdelay $0x1  }
0xa7: {  	v4 =	vadd.s32 v2, v4;
	_ =	sdelay $0x1  }
0xa8: {  	s0 =	rddreg [dreg:$0x1c]  }
0xa9: {  	[tilespmem:s0], [sflag:$0x1] =	stream.indirect_vreg.gather [hbm4b:s1+s3], $0x80, v5, vm0, $0xb8;
	[tilespmem:$0x12480] =	vst v63  }
0xaa: {  	s8 =	rddreg [dreg:$0x1d]  }
0xab: {  	[tilespmem:s8], [sflag:$0x1] =	stream.indirect_vreg.gather [hbm4b:s1+s3], $0x80, v4, vm0, $0xb8;
	[tilespmem:$0x12480] =	vst v63  }
0xac: {  	v4 =	vld [tilespmem:$0xD0];
	_ =	sdelay $0x4  }
0xad: {  	v5 =	vshll.u32 v4, $0x1  }
0xae: {  	v4 =	vand.u32 $0x7, v4;
	v5 =	vand.u32 $0xFFFFFFF0, v5  }
0xaf: {  	v4 =	vor.u32 v4, v5  }
0xb0: {  	v5 =	vperm.xlane v4, v1;
	_ =	sdelay $0x1  }
0xb1: {  	v4 =	vperm.xlane v4, v3;
	v5 =	vadd.s32 v2, v5;
	_ =	sdelay $0x1  }
0xb2: {  	v4 =	vadd.s32 v2, v4;
	_ =	sdelay $0x1  }
0xb3: {  	s0 =	simm.s32 $0xB200  }
0xb4: {  	[tilespmem:s0], [sflag:$0x1] =	stream.indirect_vreg.gather [hbm4b:s1+s3], $0x80, v5, vm0, $0xb8;
	[tilespmem:$0x12480] =	vst v63  }
0xb5: {  	_ = 	snop  }
0xb6: {  	[tilespmem:s9], [sflag:$0x1] =	stream.indirect_vreg.gather [hbm4b:s1+s3], $0x80, v4, vm0, $0xb8;
	[tilespmem:$0x12480] =	vst v63  }
0xb7: {  	v4 =	vld [tilespmem:$0x100];
	_ =	sdelay $0x4  }
0xb8: {  	v5 =	vshll.u32 v4, $0x1  }
0xb9: {  	v4 =	vand.u32 $0x7, v4;
	v5 =	vand.u32 $0xFFFFFFF0, v5  }
0xba: {  	v4 =	vor.u32 v4, v5  }
0xbb: {  	v5 =	vperm.xlane v4, v1;
	_ =	sdelay $0x1  }
0xbc: {  	v4 =	vperm.xlane v4, v3;
	v5 =	vadd.s32 v2, v5;
	_ =	sdelay $0x1  }
0xbd: {  	v4 =	vadd.s32 v2, v4;
	_ =	sdelay $0x2  }
0xbe: {  	[tilespmem:s10], [sflag:$0x1] =	stream.indirect_vreg.gather [hbm4b:s1+s3], $0x80, v5, vm0, $0xb8;
	[tilespmem:$0x12480] =	vst v63  }
0xbf: {  	_ = 	snop  }
0xc0: {  	[tilespmem:s11], [sflag:$0x1] =	stream.indirect_vreg.gather [hbm4b:s1+s3], $0x80, v4, vm0, $0xb8;
	[tilespmem:$0x12480] =	vst v63  }
0xc1: {  	v4 =	vld [tilespmem:$0x110];
	_ =	sdelay $0x4  }
0xc2: {  	v5 =	vshll.u32 v4, $0x1  }
0xc3: {  	v4 =	vand.u32 $0x7, v4;
	v5 =	vand.u32 $0xFFFFFFF0, v5  }
0xc4: {  	v4 =	vor.u32 v4, v5  }
0xc5: {  	v5 =	vperm.xlane v4, v1;
	_ =	sdelay $0x1  }
0xc6: {  	v4 =	vperm.xlane v4, v3;
	v5 =	vadd.s32 v2, v5;
	_ =	sdelay $0x1  }
0xc7: {  	v4 =	vadd.s32 v2, v4;
	_ =	sdelay $0x2  }
0xc8: {  	[tilespmem:s12], [sflag:$0x1] =	stream.indirect_vreg.gather [hbm4b:s1+s3], $0x80, v5, vm0, $0xb8;
	[tilespmem:$0x12480] =	vst v63  }
0xc9: {  	_ = 	snop  }
0xca: {  	[tilespmem:s13], [sflag:$0x1] =	stream.indirect_vreg.gather [hbm4b:s1+s3], $0x80, v4, vm0, $0xb8;
	[tilespmem:$0x12480] =	vst v63  }
0xcb: {  	v4 =	vld [tilespmem:$0x120];
	_ =	sdelay $0x4  }
0xcc: {  	v5 =	vshll.u32 v4, $0x1  }
0xcd: {  	v4 =	vand.u32 $0x7, v4;
	v5 =	vand.u32 $0xFFFFFFF0, v5  }
0xce: {  	v4 =	vor.u32 v4, v5  }
0xcf: {  	v5 =	vperm.xlane v4, v1;
	_ =	sdelay $0x1  }
0xd0: {  	v4 =	vperm.xlane v4, v3;
	v5 =	vadd.s32 v2, v5;
	_ =	sdelay $0x1  }
0xd1: {  	v4 =	vadd.s32 v2, v4;
	_ =	sdelay $0x2  }
0xd2: {  	[tilespmem:s14], [sflag:$0x1] =	stream.indirect_vreg.gather [hbm4b:s1+s3], $0x80, v5, vm0, $0xb8;
	[tilespmem:$0x12480] =	vst v63  }
0xd3: {  	_ = 	snop  }
0xd4: {  	[tilespmem:s15], [sflag:$0x1] =	stream.indirect_vreg.gather [hbm4b:s1+s3], $0x80, v4, vm0, $0xb8;
	[tilespmem:$0x12480] =	vst v63  }
0xd5: {  	v4 =	vld [tilespmem:$0x130];
	_ =	sdelay $0x4  }
0xd6: {  	v5 =	vshll.u32 v4, $0x1  }
0xd7: {  	v4 =	vand.u32 $0x7, v4;
	v5 =	vand.u32 $0xFFFFFFF0, v5  }
0xd8: {  	v4 =	vor.u32 v4, v5  }
0xd9: {  	v5 =	vperm.xlane v4, v1;
	_ =	sdelay $0x1  }
0xda: {  	v4 =	vperm.xlane v4, v3;
	v5 =	vadd.s32 v2, v5;
	_ =	sdelay $0x1  }
0xdb: {  	v4 =	vadd.s32 v2, v4;
	_ =	sdelay $0x2  }
0xdc: {  	[tilespmem:s16], [sflag:$0x1] =	stream.indirect_vreg.gather [hbm4b:s1+s3], $0x80, v5, vm0, $0xb8;
	[tilespmem:$0x12480] =	vst v63  }
0xdd: {  	_ = 	snop  }
0xde: {  	[tilespmem:s17], [sflag:$0x1] =	stream.indirect_vreg.gather [hbm4b:s1+s3], $0x80, v4, vm0, $0xb8;
	[tilespmem:$0x12480] =	vst v63  }
0xdf: {  	v4 =	vld [tilespmem:$0x140];
	_ =	sdelay $0x4  }
0xe0: {  	v5 =	vshll.u32 v4, $0x1  }
0xe1: {  	v4 =	vand.u32 $0x7, v4;
	v5 =	vand.u32 $0xFFFFFFF0, v5  }
0xe2: {  	v4 =	vor.u32 v4, v5  }
0xe3: {  	v5 =	vperm.xlane v4, v1;
	_ =	sdelay $0x1  }
0xe4: {  	v4 =	vperm.xlane v4, v3;
	v5 =	vadd.s32 v2, v5;
	_ =	sdelay $0x1  }
0xe5: {  	v4 =	vadd.s32 v2, v4;
	_ =	sdelay $0x2  }
0xe6: {  	[tilespmem:s18], [sflag:$0x1] =	stream.indirect_vreg.gather [hbm4b:s1+s3], $0x80, v5, vm0, $0xb8;
	[tilespmem:$0x12480] =	vst v63  }
0xe7: {  	_ = 	snop  }
0xe8: {  	[tilespmem:s19], [sflag:$0x1] =	stream.indirect_vreg.gather [hbm4b:s1+s3], $0x80, v4, vm0, $0xb8;
	[tilespmem:$0x12480] =	vst v63  }
0xe9: {  	v4 =	vld [tilespmem:$0x150];
	_ =	sdelay $0x4  }
0xea: {  	v5 =	vshll.u32 v4, $0x1  }
0xeb: {  	v4 =	vand.u32 $0x7, v4;
	v5 =	vand.u32 $0xFFFFFFF0, v5  }
0xec: {  	v4 =	vor.u32 v4, v5  }
0xed: {  	v5 =	vperm.xlane v4, v1;
	_ =	sdelay $0x1  }
0xee: {  	v4 =	vperm.xlane v4, v3;
	v5 =	vadd.s32 v2, v5;
	_ =	sdelay $0x1  }
0xef: {  	v4 =	vadd.s32 v2, v4;
	_ =	sdelay $0x2  }
0xf0: {  	[tilespmem:s20], [sflag:$0x1] =	stream.indirect_vreg.gather [hbm4b:s1+s3], $0x80, v5, vm0, $0xb8;
	[tilespmem:$0x12480] =	vst v63  }
0xf1: {  	_ = 	snop  }
0xf2: {  	[tilespmem:s21], [sflag:$0x1] =	stream.indirect_vreg.gather [hbm4b:s1+s3], $0x80, v4, vm0, $0xb8;
	[tilespmem:$0x12480] =	vst v63  }
0xf3: {  	_ =	swait.ge [sflag:s22], $0x6000  }
0xf4: {  	[sflag:s22] =	ssyncset.done $0x0  }
0xf5: {  	[sflag:s22] =	ssyncadd.s32 $0xFFFFA000  }
0xf6: {  	_ =	swait.ge [sflag:s22], $0x6000  }
0xf7: {  	[sflag:s22] =	ssyncset.done $0x0  }
0xf8: {  	[sflag:s22] =	ssyncadd.s32 $0xFFFFA000  }
0xf9: {  	_ =	swait.ge [sflag:s22], $0x6000  }
0xfa: {  	[sflag:s22] =	ssyncset.done $0x0  }
0xfb: {  	s31 =	rddreg [dreg:$0x7];
	[sflag:s22] =	ssyncadd.s32 $0xFFFFA000  }
0xfc: {  	[hbm4b:s31+s3] =	stream.linear.scatter [tilespmem:s7], [sflag:$0x2], $0x12000, $0x38;
	[tilespmem:$0x12480] =	vst v63  }
0xfd: {  	_ =	swait.ge [sflag:s6], $0x12000  }
0xfe: {  	[sflag:s6] =	ssyncset.done $0x0  }
0xff: {  	[sflag:s6] =	ssyncadd.s32 $0xFFFEE000  }
0x100: {  	[bflag:$0x0] =	sbarrier.arrive $0xFFFF  }
0x101: {  	[spmem:s2] =	stream.indirect.scatter.add.f32 [tilespmem:s24], [sflag:$0x2], $0x1, s3, s23, $0xb8;
	[tilespmem:$0x12480] =	vst v63  }
0x102: {  	_ =	swait.ge [sflag:s6], $0x60  }
0x103: {  	[sflag:s6] =	ssyncset.done $0x0  }
0x104: {  	[sflag:s6] =	ssyncadd.s32 $0xFFFFFFA0  }
0x105: {  	[spmem:s2] =	stream.indirect.scatter.add.f32 [tilespmem:s24], [sflag:$0x2], $0x1, s25, s23, $0xb8;
	[tilespmem:$0x12480] =	vst v63  }
0x106: {  	_ =	swait.ge [sflag:s6], $0x60  }
0x107: {  	[sflag:s6] =	ssyncset.done $0x0  }
0x108: {  	[sflag:s6] =	ssyncadd.s32 $0xFFFFFFA0  }
0x109: {  	[spmem:s2] =	stream.indirect.scatter.add.f32 [tilespmem:s24], [sflag:$0x2], $0x1, s26, s23, $0xb8;
	[tilespmem:$0x12480] =	vst v63  }
0x10a: {  	_ =	swait.ge [sflag:s6], $0x60  }
0x10b: {  	s4 =	sadd.s32 $0xFFFFFFFF, s4;
	[sflag:s6] =	ssyncset.done $0x0  }
0x10c: {  	p1 =	sne.s32 s4, $0x0;
	[sflag:s6] =	ssyncadd.s32 $0xFFFFFFA0  }
0x10d: {  	s8 =	simm.s32 @!p0 $0x10;
	s0 =	simm.s32 @!p0 $0x20;
	[bflag:$0x0] =	sbarrier.arrive $0xFFFF  }
.Ltmp0:
0x10e: {  	s31 =	simm.s32 @!p0 $0x1;
	s30 =	rddreg [dreg:$0x8];
	(pc) =	sbr.rel @p1 .LBB2_1-.Ltmp0, $4  }
0x10f: {  	[hbm:s30@s0], [sflag:s29] =	dma.strided @!p0 [spmem:s5@s8], $0x400, s31, $0x10   }
0x110: {  	_ =	swait.ge @!p0 [sflag:s28], $0x400  }
0x111: {  	[sflag:s28] =	ssyncset.done @!p0 $0x0  }
0x112: {  	[sflag:s28] =	ssyncadd.s32 @!p0 $0xFFFFFC00  }
0x113: {  	_ =	sfence.sel $0x180000  }
0x114: {  	[bflag:$0x0] =	sbarrier.arrive $0xFFFF  }
0x115: {  	_ =	strace $0x90000047  }
0x116: {  	[bflag:$0x2] =	sbarrier.arrive $0xFFFF  }
0x117: {  	s0 =	rddreg [dreg:$0x4]  }
0x118: {  	s0 =	sadd.s32 @!p0 $0x100000, s0  }
0x119: {  	[sflag:s0] =	ssyncadd.tile.s32 @!p0 $0x1;
	_ =	shalt  }
.Lfunc_end2:
_tile_overlayer_lowered:
.L_overlay_start_2:
0x11a: {  	(tag) =	ssettag $0x2  }
0x11b: {  	s0 =	rddreg [dreg:$0x0];
	s2 =	stileid.u32  }
0x11c: {  	s1 =	rddreg [dreg:$0x1];
	p0 =	sne.s32 s2, $0x0  }
0x11d: {  	s3 =	rddreg [dreg:$0x2];
	[bflag:$0x3] =	sbarrier.arrive $0xFFFF;
	s2 =	simm.s32 @!p0 $0x1C02  }
0x11e: {  	[timem:s3], [sflag:s2] =	dma.local @!p0 [hbm:s0], s1  }
0x11f: {  	s0 =	simm.s32 @!p0 $0x2  }
0x120: {  	_ =	swait.ge @!p0 [sflag:s0], s1  }
0x121: {  	s1 =	ssub.s32 @!p0 $0x0, s1;
	[sflag:s0] =	ssyncset.done @!p0 $0x0  }
0x122: {  	[sflag:s0] =	ssyncadd.s32 @!p0 s1  }
0x123: {  	[bflag:$0x3] =	sbarrier.arrive $0xFFFF  }
0x124: {  	_ =	shalt  }

</sc_bundles>
